<compile_context>
chip_gen: v7x
topology: tpu7x:2x2x1
jax: 0.10.2.dev20260603
libtpu: 0.0.44.dev20260713+nightly
codegen_flags: <defaults>
</compile_context>

<pallas_src>
import functools

import jax
import jax.numpy as jnp
from jax import lax
from jax.experimental import pallas as pl
from jax.experimental.pallas import tpu as pltpu
from jax.experimental.pallas import tpu_sc as plsc

NUM_ROWS = 1_000_000
EMB = 32
OUT_DIM = 32
BATCH = 16384
SEQ = 50
B_TOTAL = BATCH * SEQ

NC = 2
NS = 16
NW = NC * NS
CHUNK = 512
SEG = CHUNK // 4
CHUNKS_PER_S = BATCH // CHUNK
N_CHUNKS_TOTAL = SEQ * CHUNKS_PER_S
CHUNKS_PER_W = N_CHUNKS_TOTAL // NW
PAIRS_PER_W = CHUNKS_PER_W // 2
QH = BATCH // 4


def _make_sc_gather():
    mesh = plsc.VectorSubcoreMesh(core_axis_name="c", subcore_axis_name="s")

    @functools.partial(
        pl.kernel,
        out_type=jax.ShapeDtypeStruct((B_TOTAL, EMB), jnp.float32),
        mesh=mesh,
        scratch_types=[
            pltpu.VMEM((CHUNK,), jnp.int32),
            pltpu.VMEM((CHUNK,), jnp.int32),
            pltpu.VMEM((CHUNK,), jnp.int32),
            pltpu.VMEM((CHUNK,), jnp.int32),
            pltpu.VMEM((CHUNK, EMB), jnp.float32),
            pltpu.VMEM((CHUNK, EMB), jnp.float32),
            pltpu.SemaphoreType.DMA,
            pltpu.SemaphoreType.DMA,
            pltpu.SemaphoreType.DMA,
            pltpu.SemaphoreType.DMA,
        ],
        compiler_params=pltpu.CompilerParams(
            use_tc_tiling_on_sc=False, needs_layout_passes=False),
    )
    def gather_k(idx_hbm, table_hbm, out_hbm, is0, is1, iv0, iv1, r0, r1,
                 ss, sg0, sg1, sw):
        wid = lax.axis_index("s") * NC + lax.axis_index("c")

        def stage_segs(c, idx_s):
            s = lax.div(c, CHUNKS_PER_S)
            k = lax.rem(c, CHUNKS_PER_S)
            src_base = s * BATCH + k * SEG
            return [pltpu.async_copy(
                idx_hbm.at[pl.ds(src_base + j * QH, SEG)],
                idx_s.at[pl.ds(j * SEG, SEG)], ss) for j in range(4)]

        def reorder_chunk(idx_s, idx_v):
            def reorder(t, carry2):
                lane = lax.iota(jnp.int32, 16)
                const16 = (lane & 3) * SEG + (lane >> 2)
                g = plsc.load_gather(idx_s, [const16 + t * 4])
                rho = (((g >> LOG_TBLK) << LOG_TBLK)
                       + ((g & (T4 - 1)) << 2) + ((g >> LOG_T4) & 3))
                idx_v[pl.ds(t * 16, 16)] = rho
                return carry2

            lax.fori_loop(0, CHUNK // 16, reorder, 0)

        def pair_body(t, carry):
            c0 = wid * CHUNKS_PER_W + t * 2
            c1 = c0 + 1
            a0 = stage_segs(c0, is0)
            a1 = stage_segs(c1, is1)
            for h in a0:
                h.wait()
            reorder_chunk(is0, iv0)
            g0 = pltpu.async_copy(table_hbm.at[iv0], r0, sg0)
            for h in a1:
                h.wait()
            reorder_chunk(is1, iv1)
            g1 = pltpu.async_copy(table_hbm.at[iv1], r1, sg1)
            g0.wait()
            w0 = pltpu.async_copy(r0, out_hbm.at[pl.ds(c0 * CHUNK, CHUNK)], sw)
            g1.wait()
            w1 = pltpu.async_copy(r1, out_hbm.at[pl.ds(c1 * CHUNK, CHUNK)], sw)
            w0.wait()
            w1.wait()
            return carry

        lax.fori_loop(0, PAIRS_PER_W, pair_body, 0)

    return gather_k


_sc_gather = _make_sc_gather()

BCH = BATCH
Q = BCH // 4
ROWS128 = B_TOTAL * EMB // 128


def _detile_body(x_ref, o_ref):
    o_ref[...] = x_ref[...].reshape(64, BATCH // 8)


def _tc_detile(elemT):
    return pl.pallas_call(
        _detile_body,
        grid=(7,),
        in_specs=[pl.BlockSpec((8, BATCH), lambda i: (i, 0))],
        out_specs=pl.BlockSpec((64, BATCH // 8), lambda i: (i, 0)),
        out_shape=jax.ShapeDtypeStruct((SEQ * 8, BATCH // 8), jnp.int32),
    )(elemT)


TBLK = 32768
LOG_TBLK = 15
T4 = TBLK // 4
LOG_T4 = 13
T_GRID = -(-NUM_ROWS // TBLK)
TAB_ROWS = T_GRID * TBLK


def _table_relayout_body(x_ref, p_ref, o_ref):
    x4 = x_ref[...].reshape(128, T4)
    o_ref[...] = lax.dot_general(x4, p_ref[...], (((0,), (0,)), ((), ())),
                                 preferred_element_type=jnp.float32)


def _tc_table_relayout(tableT, perm):
    return pl.pallas_call(
        _table_relayout_body,
        grid=(T_GRID,),
        in_specs=[
            pl.BlockSpec((EMB, TBLK), lambda i: (0, i)),
            pl.BlockSpec((128, 128), lambda i: (0, 0)),
        ],
        out_specs=pl.BlockSpec((T4, 128), lambda i: (i, 0)),
        out_shape=jax.ShapeDtypeStruct((T_GRID * T4, 128), jnp.float32),
    )(tableT, perm)


def _perm128():
    s = jnp.arange(128)
    return jax.nn.one_hot(32 * (s % 4) + s // 4, 128, dtype=jnp.float32)


def _linear_relu_body(x_ref, w_ref, b_ref, o_ref):
    w = w_ref[...]
    bias = b_ref[...]
    for u in range(2):
        x = x_ref[u * Q:(u + 1) * Q, :]
        for j in range(4):
            xj = x[:, j * EMB:(j + 1) * EMB]
            yj = lax.dot_general(w, xj, (((1,), (1,)), ((), ())),
                                 preferred_element_type=jnp.float32)
            o_ref[u, :, j * Q:(j + 1) * Q] = jnp.maximum(yj + bias, 0.0)


def _tc_linear_relu(x128, w, b2d):
    return pl.pallas_call(
        _linear_relu_body,
        grid=(SEQ // 2,),
        in_specs=[
            pl.BlockSpec((2 * Q, 128), lambda s: (s, 0)),
            pl.BlockSpec((EMB, EMB), lambda s: (0, 0)),
            pl.BlockSpec((OUT_DIM, 1), lambda s: (0, 0)),
        ],
        out_specs=pl.BlockSpec((2, OUT_DIM, BCH), lambda s: (s, 0, 0)),
        out_shape=jax.ShapeDtypeStruct((SEQ, OUT_DIM, BATCH), jnp.float32),
    )(x128, w, b2d)


def kernel(element, table, W, b):
    idx = _tc_detile(element.astype(jnp.int32).T).reshape(-1)
    table128 = _tc_table_relayout(table.T, _perm128())
    table_lin = table128.reshape(TAB_ROWS, EMB)
    gathered = _sc_gather(idx, table_lin)
    x128 = gathered.reshape(ROWS128, 128)
    yT = _tc_linear_relu(x128, W, b.reshape(OUT_DIM, 1))
    return jnp.transpose(yT, (2, 0, 1))

# --- scband reference (transcript-rebuilt; emitter-appended) ---
"""Pipeline reference for scband-element-encoder-51213190037555 (READ-ONLY COPY).

The authoritative reference and input builder live on the scoring server;
editing this copy changes nothing except your own understanding.
"""

import jax, jax.numpy as jnp
import numpy as np

NUM_ELEMENTS = 1000000
EMBEDDING_DIM = 32
OUTPUT_DIM = 32

def setup_inputs(seed: int = 0) -> dict:
    key = jax.random.key(seed)
    k1, k2, k3, k4 = jax.random.split(key, 4)
    element = jax.random.randint(k1, (16384, 50), 0, NUM_ELEMENTS)
    table = jax.random.normal(k2, (NUM_ELEMENTS, EMBEDDING_DIM), dtype=jnp.float32)
    # nn.Embedding padding_idx=0 -> row 0 initialized to zeros
    table = table.at[0].set(0.0)
    W = jax.random.normal(k3, (OUTPUT_DIM, EMBEDDING_DIM), dtype=jnp.float32) * 0.05
    b = jax.random.normal(k4, (OUTPUT_DIM,), dtype=jnp.float32) * 0.05
    return {"element": element, "table": table, "W": W, "b": b}

def reference(element, table, W, b):
    # embedding lookup (gather)
    element_embedding = jnp.take(table, element, axis=0)  # [B, L, E]
    # linear layer: y = x @ W^T + b
    element_vector = element_embedding @ W.T + b
    # relu
    return jax.nn.relu(element_vector)

if __name__ == "__main__":
    import jax
    _d = setup_inputs()
    print(jax.jit(kernel)(*tuple(_d.values())))

</pallas_src>

<mosaic_0001>
#map = affine_map<(d0, d1) -> (0)>
#map1 = affine_map<(d0, d1) -> (0, 0)>
module attributes {stable_mosaic.version = 14 : i64} {
  func.func @gather_k(%arg0: i32, %arg1: i32, %arg2: memref<819200xi32, #tpu.memory_space<hbm>>, %arg3: memref<1015808x32xf32, #tpu.memory_space<hbm>>, %arg4: memref<819200x32xf32, #tpu.memory_space<hbm>>, %arg5: memref<512xi32, #tpu.memory_space<vmem>>, %arg6: memref<512xi32, #tpu.memory_space<vmem>>, %arg7: memref<512xi32, #tpu.memory_space<vmem>>, %arg8: memref<512xi32, #tpu.memory_space<vmem>>, %arg9: memref<512x32xf32, #tpu.memory_space<vmem>>, %arg10: memref<512x32xf32, #tpu.memory_space<vmem>>, %arg11: memref<!tpu.dma_semaphore, #tpu.memory_space<semaphore_mem>>, %arg12: memref<!tpu.dma_semaphore, #tpu.memory_space<semaphore_mem>>, %arg13: memref<!tpu.dma_semaphore, #tpu.memory_space<semaphore_mem>>, %arg14: memref<!tpu.dma_semaphore, #tpu.memory_space<semaphore_mem>>) attributes {dimension_semantics = [#tpu.dimension_semantics<core_parallel>, #tpu.dimension_semantics<subcore_parallel>], iteration_bounds = array<i64: 2, 16>, scalar_prefetch = 0 : i64, scratch_operands = 10 : i64, tpu.core_type = #tpu.core_type<sc_vector_subcore>, window_params = [{transform_indices = #map}, {transform_indices = #map1}, {transform_indices = #map1}]} {
    %mul3A = arith.constant 2 : i32
    %mul3A_0 = arith.muli %arg1, %mul3A : i32
    %add3A = arith.addi %mul3A_0, %arg0 : i32
    %scan3A = arith.constant 0 : i32
    %scan3A_1 = arith.constant 0 : i32
    %scan3A_2 = arith.constant 25 : i32
    %scan3A_3 = arith.addi %scan3A_1, %scan3A_2 : i32
    %scan3A_4 = arith.constant 1 : i32
    scf.for %scan3A_6 = %scan3A_1 to %scan3A_3 step %scan3A_4  : i32 {
      %mul3A_7 = arith.constant 50 : i32
      %mul3A_8 = arith.muli %add3A, %mul3A_7 : i32
      %mul3A_9 = arith.constant 2 : i32
      %mul3A_10 = arith.muli %scan3A_6, %mul3A_9 : i32
      %add3A_11 = arith.addi %mul3A_8, %mul3A_10 : i32
      %add3A_12 = arith.constant 1 : i32
      %add3A_13 = arith.addi %add3A_11, %add3A_12 : i32
      %div3A = arith.constant 32 : i32
      %div3A_14 = arith.divsi %add3A_11, %div3A : i32
      %rem3A = arith.constant 32 : i32
      %rem3A_15 = arith.remsi %add3A_11, %rem3A : i32
      %mul3A_16 = arith.constant 16384 : i32
      %mul3A_17 = arith.muli %div3A_14, %mul3A_16 : i32
      %mul3A_18 = arith.constant 128 : i32
      %mul3A_19 = arith.muli %rem3A_15, %mul3A_18 : i32
      %add3A_20 = arith.addi %mul3A_17, %mul3A_19 : i32
      %add3A_21 = arith.constant 0 : i32
      %add3A_22 = arith.addi %add3A_20, %add3A_21 : i32
      %dma_start3A = arith.constant 0 : i32
      %dma_start3A_23 = tpu.memref_slice %arg5[%dma_start3A] : memref<512xi32, #tpu.memory_space<vmem>> -> memref<128xi32, #tpu.memory_space<vmem>>
      %dma_start3A_24 = tpu.memref_slice %arg2[%add3A_22] : memref<819200xi32, #tpu.memory_space<hbm>> -> memref<128xi32, #tpu.memory_space<hbm>>
      %dma_start3A_25 = arith.constant 0 : i32
      %dma_start3A_26 = tpu.memref_slice %arg5[%dma_start3A_25] : memref<512xi32, #tpu.memory_space<vmem>> -> memref<128xi32, #tpu.memory_space<vmem>>
      %dma_start3A_27 = tpu.memref_slice %arg2[%add3A_22] : memref<819200xi32, #tpu.memory_space<hbm>> -> memref<128xi32, #tpu.memory_space<hbm>>
      tpu.enqueue_dma source(%dma_start3A_27 : memref<128xi32, #tpu.memory_space<hbm>>) target(%dma_start3A_26 : memref<128xi32, #tpu.memory_space<vmem>>) target_semaphore(%arg11 : memref<!tpu.dma_semaphore, #tpu.memory_space<semaphore_mem>>)
      %add3A_28 = arith.constant 4096 : i32
      %add3A_29 = arith.addi %add3A_20, %add3A_28 : i32
      %dma_start3A_30 = arith.constant 128 : i32
      %dma_start3A_31 = tpu.memref_slice %arg5[%dma_start3A_30] : memref<512xi32, #tpu.memory_space<vmem>> -> memref<128xi32, #tpu.memory_space<vmem>>
      %dma_start3A_32 = tpu.memref_slice %arg2[%add3A_29] : memref<819200xi32, #tpu.memory_space<hbm>> -> memref<128xi32, #tpu.memory_space<hbm>>
      %dma_start3A_33 = arith.constant 128 : i32
      %dma_start3A_34 = tpu.memref_slice %arg5[%dma_start3A_33] : memref<512xi32, #tpu.memory_space<vmem>> -> memref<128xi32, #tpu.memory_space<vmem>>
      %dma_start3A_35 = tpu.memref_slice %arg2[%add3A_29] : memref<819200xi32, #tpu.memory_space<hbm>> -> memref<128xi32, #tpu.memory_space<hbm>>
      tpu.enqueue_dma source(%dma_start3A_35 : memref<128xi32, #tpu.memory_space<hbm>>) target(%dma_start3A_34 : memref<128xi32, #tpu.memory_space<vmem>>) target_semaphore(%arg11 : memref<!tpu.dma_semaphore, #tpu.memory_space<semaphore_mem>>)
      %add3A_36 = arith.constant 8192 : i32
      %add3A_37 = arith.addi %add3A_20, %add3A_36 : i32
      %dma_start3A_38 = arith.constant 256 : i32
      %dma_start3A_39 = tpu.memref_slice %arg5[%dma_start3A_38] : memref<512xi32, #tpu.memory_space<vmem>> -> memref<128xi32, #tpu.memory_space<vmem>>
      %dma_start3A_40 = tpu.memref_slice %arg2[%add3A_37] : memref<819200xi32, #tpu.memory_space<hbm>> -> memref<128xi32, #tpu.memory_space<hbm>>
      %dma_start3A_41 = arith.constant 256 : i32
      %dma_start3A_42 = tpu.memref_slice %arg5[%dma_start3A_41] : memref<512xi32, #tpu.memory_space<vmem>> -> memref<128xi32, #tpu.memory_space<vmem>>
      %dma_start3A_43 = tpu.memref_slice %arg2[%add3A_37] : memref<819200xi32, #tpu.memory_space<hbm>> -> memref<128xi32, #tpu.memory_space<hbm>>
      tpu.enqueue_dma source(%dma_start3A_43 : memref<128xi32, #tpu.memory_space<hbm>>) target(%dma_start3A_42 : memref<128xi32, #tpu.memory_space<vmem>>) target_semaphore(%arg11 : memref<!tpu.dma_semaphore, #tpu.memory_space<semaphore_mem>>)
      %add3A_44 = arith.constant 12288 : i32
      %add3A_45 = arith.addi %add3A_20, %add3A_44 : i32
      %dma_start3A_46 = arith.constant 384 : i32
      %dma_start3A_47 = tpu.memref_slice %arg5[%dma_start3A_46] : memref<512xi32, #tpu.memory_space<vmem>> -> memref<128xi32, #tpu.memory_space<vmem>>
      %dma_start3A_48 = tpu.memref_slice %arg2[%add3A_45] : memref<819200xi32, #tpu.memory_space<hbm>> -> memref<128xi32, #tpu.memory_space<hbm>>
      %dma_start3A_49 = arith.constant 384 : i32
      %dma_start3A_50 = tpu.memref_slice %arg5[%dma_start3A_49] : memref<512xi32, #tpu.memory_space<vmem>> -> memref<128xi32, #tpu.memory_space<vmem>>
      %dma_start3A_51 = tpu.memref_slice %arg2[%add3A_45] : memref<819200xi32, #tpu.memory_space<hbm>> -> memref<128xi32, #tpu.memory_space<hbm>>
      tpu.enqueue_dma source(%dma_start3A_51 : memref<128xi32, #tpu.memory_space<hbm>>) target(%dma_start3A_50 : memref<128xi32, #tpu.memory_space<vmem>>) target_semaphore(%arg11 : memref<!tpu.dma_semaphore, #tpu.memory_space<semaphore_mem>>)
      %div3A_52 = arith.constant 32 : i32
      %div3A_53 = arith.divsi %add3A_13, %div3A_52 : i32
      %rem3A_54 = arith.constant 32 : i32
      %rem3A_55 = arith.remsi %add3A_13, %rem3A_54 : i32
      %mul3A_56 = arith.constant 16384 : i32
      %mul3A_57 = arith.muli %div3A_53, %mul3A_56 : i32
      %mul3A_58 = arith.constant 128 : i32
      %mul3A_59 = arith.muli %rem3A_55, %mul3A_58 : i32
      %add3A_60 = arith.addi %mul3A_57, %mul3A_59 : i32
      %add3A_61 = arith.constant 0 : i32
      %add3A_62 = arith.addi %add3A_60, %add3A_61 : i32
      %dma_start3A_63 = arith.constant 0 : i32
      %dma_start3A_64 = tpu.memref_slice %arg6[%dma_start3A_63] : memref<512xi32, #tpu.memory_space<vmem>> -> memref<128xi32, #tpu.memory_space<vmem>>
      %dma_start3A_65 = tpu.memref_slice %arg2[%add3A_62] : memref<819200xi32, #tpu.memory_space<hbm>> -> memref<128xi32, #tpu.memory_space<hbm>>
      %dma_start3A_66 = arith.constant 0 : i32
      %dma_start3A_67 = tpu.memref_slice %arg6[%dma_start3A_66] : memref<512xi32, #tpu.memory_space<vmem>> -> memref<128xi32, #tpu.memory_space<vmem>>
      %dma_start3A_68 = tpu.memref_slice %arg2[%add3A_62] : memref<819200xi32, #tpu.memory_space<hbm>> -> memref<128xi32, #tpu.memory_space<hbm>>
      tpu.enqueue_dma source(%dma_start3A_68 : memref<128xi32, #tpu.memory_space<hbm>>) target(%dma_start3A_67 : memref<128xi32, #tpu.memory_space<vmem>>) target_semaphore(%arg11 : memref<!tpu.dma_semaphore, #tpu.memory_space<semaphore_mem>>)
      %add3A_69 = arith.constant 4096 : i32
      %add3A_70 = arith.addi %add3A_60, %add3A_69 : i32
      %dma_start3A_71 = arith.constant 128 : i32
      %dma_start3A_72 = tpu.memref_slice %arg6[%dma_start3A_71] : memref<512xi32, #tpu.memory_space<vmem>> -> memref<128xi32, #tpu.memory_space<vmem>>
      %dma_start3A_73 = tpu.memref_slice %arg2[%add3A_70] : memref<819200xi32, #tpu.memory_space<hbm>> -> memref<128xi32, #tpu.memory_space<hbm>>
      %dma_start3A_74 = arith.constant 128 : i32
      %dma_start3A_75 = tpu.memref_slice %arg6[%dma_start3A_74] : memref<512xi32, #tpu.memory_space<vmem>> -> memref<128xi32, #tpu.memory_space<vmem>>
      %dma_start3A_76 = tpu.memref_slice %arg2[%add3A_70] : memref<819200xi32, #tpu.memory_space<hbm>> -> memref<128xi32, #tpu.memory_space<hbm>>
      tpu.enqueue_dma source(%dma_start3A_76 : memref<128xi32, #tpu.memory_space<hbm>>) target(%dma_start3A_75 : memref<128xi32, #tpu.memory_space<vmem>>) target_semaphore(%arg11 : memref<!tpu.dma_semaphore, #tpu.memory_space<semaphore_mem>>)
      %add3A_77 = arith.constant 8192 : i32
      %add3A_78 = arith.addi %add3A_60, %add3A_77 : i32
      %dma_start3A_79 = arith.constant 256 : i32
      %dma_start3A_80 = tpu.memref_slice %arg6[%dma_start3A_79] : memref<512xi32, #tpu.memory_space<vmem>> -> memref<128xi32, #tpu.memory_space<vmem>>
      %dma_start3A_81 = tpu.memref_slice %arg2[%add3A_78] : memref<819200xi32, #tpu.memory_space<hbm>> -> memref<128xi32, #tpu.memory_space<hbm>>
      %dma_start3A_82 = arith.constant 256 : i32
      %dma_start3A_83 = tpu.memref_slice %arg6[%dma_start3A_82] : memref<512xi32, #tpu.memory_space<vmem>> -> memref<128xi32, #tpu.memory_space<vmem>>
      %dma_start3A_84 = tpu.memref_slice %arg2[%add3A_78] : memref<819200xi32, #tpu.memory_space<hbm>> -> memref<128xi32, #tpu.memory_space<hbm>>
      tpu.enqueue_dma source(%dma_start3A_84 : memref<128xi32, #tpu.memory_space<hbm>>) target(%dma_start3A_83 : memref<128xi32, #tpu.memory_space<vmem>>) target_semaphore(%arg11 : memref<!tpu.dma_semaphore, #tpu.memory_space<semaphore_mem>>)
      %add3A_85 = arith.constant 12288 : i32
      %add3A_86 = arith.addi %add3A_60, %add3A_85 : i32
      %dma_start3A_87 = arith.constant 384 : i32
      %dma_start3A_88 = tpu.memref_slice %arg6[%dma_start3A_87] : memref<512xi32, #tpu.memory_space<vmem>> -> memref<128xi32, #tpu.memory_space<vmem>>
      %dma_start3A_89 = tpu.memref_slice %arg2[%add3A_86] : memref<819200xi32, #tpu.memory_space<hbm>> -> memref<128xi32, #tpu.memory_space<hbm>>
      %dma_start3A_90 = arith.constant 384 : i32
      %dma_start3A_91 = tpu.memref_slice %arg6[%dma_start3A_90] : memref<512xi32, #tpu.memory_space<vmem>> -> memref<128xi32, #tpu.memory_space<vmem>>
      %dma_start3A_92 = tpu.memref_slice %arg2[%add3A_86] : memref<819200xi32, #tpu.memory_space<hbm>> -> memref<128xi32, #tpu.memory_space<hbm>>
      tpu.enqueue_dma source(%dma_start3A_92 : memref<128xi32, #tpu.memory_space<hbm>>) target(%dma_start3A_91 : memref<128xi32, #tpu.memory_space<vmem>>) target_semaphore(%arg11 : memref<!tpu.dma_semaphore, #tpu.memory_space<semaphore_mem>>)
      %dma_wait3A = arith.constant 0 : i32
      %dma_wait3A_93 = tpu.memref_slice %arg5[%dma_wait3A] : memref<512xi32, #tpu.memory_space<vmem>> -> memref<128xi32, #tpu.memory_space<vmem>>
      %dma_wait3A_94 = tpu.memref_slice %arg2[%add3A_22] : memref<819200xi32, #tpu.memory_space<hbm>> -> memref<128xi32, #tpu.memory_space<hbm>>
      %dma_wait3A_95 = arith.constant 0 : i32
      %dma_wait3A_96 = tpu.memref_slice %arg5[%dma_wait3A_95] : memref<512xi32, #tpu.memory_space<vmem>> -> memref<128xi32, #tpu.memory_space<vmem>>
      %dma_wait3A_97 = tpu.memref_slice %arg2[%add3A_22] : memref<819200xi32, #tpu.memory_space<hbm>> -> memref<128xi32, #tpu.memory_space<hbm>>
      tpu.wait_dma2 semaphore(%arg11 : memref<!tpu.dma_semaphore, #tpu.memory_space<semaphore_mem>>) src(%dma_wait3A_97 : memref<128xi32, #tpu.memory_space<hbm>>) dst(%dma_wait3A_96 : memref<128xi32, #tpu.memory_space<vmem>>)
      %dma_wait3A_98 = arith.constant 128 : i32
      %dma_wait3A_99 = tpu.memref_slice %arg5[%dma_wait3A_98] : memref<512xi32, #tpu.memory_space<vmem>> -> memref<128xi32, #tpu.memory_space<vmem>>
      %dma_wait3A_100 = tpu.memref_slice %arg2[%add3A_29] : memref<819200xi32, #tpu.memory_space<hbm>> -> memref<128xi32, #tpu.memory_space<hbm>>
      %dma_wait3A_101 = arith.constant 128 : i32
      %dma_wait3A_102 = tpu.memref_slice %arg5[%dma_wait3A_101] : memref<512xi32, #tpu.memory_space<vmem>> -> memref<128xi32, #tpu.memory_space<vmem>>
      %dma_wait3A_103 = tpu.memref_slice %arg2[%add3A_29] : memref<819200xi32, #tpu.memory_space<hbm>> -> memref<128xi32, #tpu.memory_space<hbm>>
      tpu.wait_dma2 semaphore(%arg11 : memref<!tpu.dma_semaphore, #tpu.memory_space<semaphore_mem>>) src(%dma_wait3A_103 : memref<128xi32, #tpu.memory_space<hbm>>) dst(%dma_wait3A_102 : memref<128xi32, #tpu.memory_space<vmem>>)
      %dma_wait3A_104 = arith.constant 256 : i32
      %dma_wait3A_105 = tpu.memref_slice %arg5[%dma_wait3A_104] : memref<512xi32, #tpu.memory_space<vmem>> -> memref<128xi32, #tpu.memory_space<vmem>>
      %dma_wait3A_106 = tpu.memref_slice %arg2[%add3A_37] : memref<819200xi32, #tpu.memory_space<hbm>> -> memref<128xi32, #tpu.memory_space<hbm>>
      %dma_wait3A_107 = arith.constant 256 : i32
      %dma_wait3A_108 = tpu.memref_slice %arg5[%dma_wait3A_107] : memref<512xi32, #tpu.memory_space<vmem>> -> memref<128xi32, #tpu.memory_space<vmem>>
      %dma_wait3A_109 = tpu.memref_slice %arg2[%add3A_37] : memref<819200xi32, #tpu.memory_space<hbm>> -> memref<128xi32, #tpu.memory_space<hbm>>
      tpu.wait_dma2 semaphore(%arg11 : memref<!tpu.dma_semaphore, #tpu.memory_space<semaphore_mem>>) src(%dma_wait3A_109 : memref<128xi32, #tpu.memory_space<hbm>>) dst(%dma_wait3A_108 : memref<128xi32, #tpu.memory_space<vmem>>)
      %dma_wait3A_110 = arith.constant 384 : i32
      %dma_wait3A_111 = tpu.memref_slice %arg5[%dma_wait3A_110] : memref<512xi32, #tpu.memory_space<vmem>> -> memref<128xi32, #tpu.memory_space<vmem>>
      %dma_wait3A_112 = tpu.memref_slice %arg2[%add3A_45] : memref<819200xi32, #tpu.memory_space<hbm>> -> memref<128xi32, #tpu.memory_space<hbm>>
      %dma_wait3A_113 = arith.constant 384 : i32
      %dma_wait3A_114 = tpu.memref_slice %arg5[%dma_wait3A_113] : memref<512xi32, #tpu.memory_space<vmem>> -> memref<128xi32, #tpu.memory_space<vmem>>
      %dma_wait3A_115 = tpu.memref_slice %arg2[%add3A_45] : memref<819200xi32, #tpu.memory_space<hbm>> -> memref<128xi32, #tpu.memory_space<hbm>>
      tpu.wait_dma2 semaphore(%arg11 : memref<!tpu.dma_semaphore, #tpu.memory_space<semaphore_mem>>) src(%dma_wait3A_115 : memref<128xi32, #tpu.memory_space<hbm>>) dst(%dma_wait3A_114 : memref<128xi32, #tpu.memory_space<vmem>>)
      %scan3A_116 = arith.constant 0 : i32
      %scan3A_117 = arith.constant 0 : i32
      %scan3A_118 = arith.constant 32 : i32
      %scan3A_119 = arith.addi %scan3A_117, %scan3A_118 : i32
      %scan3A_120 = arith.constant 1 : i32
      scf.for %scan3A_184 = %scan3A_117 to %scan3A_119 step %scan3A_120  : i32 {
        %iota3A = tpu.iota {dimensions = array<i32: 0>} : vector<16xi32>
        %and3A = arith.constant 3 : i32
        %and3A_185 = vector.broadcast %and3A : i32 to vector<16xi32>
        %and3A_186 = arith.andi %iota3A, %and3A_185 : vector<16xi32>
        %mul3A_187 = arith.constant 128 : i32
        %mul3A_188 = vector.broadcast %mul3A_187 : i32 to vector<16xi32>
        %mul3A_189 = arith.muli %and3A_186, %mul3A_188 : vector<16xi32>
        %shift_right_arithmetic3A = arith.constant 2 : i32
        %shift_right_arithmetic3A_190 = vector.broadcast %shift_right_arithmetic3A : i32 to vector<16xi32>
        %shift_right_arithmetic3A_191 = arith.shrsi %iota3A, %shift_right_arithmetic3A_190 : vector<16xi32>
        %add3A_192 = arith.addi %mul3A_189, %shift_right_arithmetic3A_191 : vector<16xi32>
        %mul3A_193 = arith.constant 4 : i32
        %mul3A_194 = arith.muli %scan3A_184, %mul3A_193 : i32
        %add3A_195 = vector.broadcast %mul3A_194 : i32 to vector<16xi32>
        %add3A_196 = arith.addi %add3A_192, %add3A_195 : vector<16xi32>
        %gather3A = tpu.vector_load_idx %arg5[%add3A_196] : memref<512xi32, #tpu.memory_space<vmem>>[vector<16xi32>], vector<16xi32>,
        %shift_right_arithmetic3A_197 = arith.constant 15 : i32
        %shift_right_arithmetic3A_198 = vector.broadcast %shift_right_arithmetic3A_197 : i32 to vector<16xi32>
        %shift_right_arithmetic3A_199 = arith.shrsi %gather3A, %shift_right_arithmetic3A_198 : vector<16xi32>
        %shift_left3A = arith.constant 15 : i32
        %shift_left3A_200 = vector.broadcast %shift_left3A : i32 to vector<16xi32>
        %shift_left3A_201 = arith.shli %shift_right_arithmetic3A_199, %shift_left3A_200 : vector<16xi32>
        %and3A_202 = arith.constant 8191 : i32
        %and3A_203 = vector.broadcast %and3A_202 : i32 to vector<16xi32>
        %and3A_204 = arith.andi %gather3A, %and3A_203 : vector<16xi32>
        %shift_left3A_205 = arith.constant 2 : i32
        %shift_left3A_206 = vector.broadcast %shift_left3A_205 : i32 to vector<16xi32>
        %shift_left3A_207 = arith.shli %and3A_204, %shift_left3A_206 : vector<16xi32>
        %add3A_208 = arith.addi %shift_left3A_201, %shift_left3A_207 : vector<16xi32>
        %shift_right_arithmetic3A_209 = arith.constant 13 : i32
        %shift_right_arithmetic3A_210 = vector.broadcast %shift_right_arithmetic3A_209 : i32 to vector<16xi32>
        %shift_right_arithmetic3A_211 = arith.shrsi %gather3A, %shift_right_arithmetic3A_210 : vector<16xi32>
        %and3A_212 = arith.constant 3 : i32
        %and3A_213 = vector.broadcast %and3A_212 : i32 to vector<16xi32>
        %and3A_214 = arith.andi %shift_right_arithmetic3A_211, %and3A_213 : vector<16xi32>
        %add3A_215 = arith.addi %add3A_208, %and3A_214 : vector<16xi32>
        %mul3A_216 = arith.constant 16 : i32
        %mul3A_217 = arith.muli %scan3A_184, %mul3A_216 : i32
        %swap3A = arith.index_cast %mul3A_217 : i32 to index
        %swap3A_218 = tpu.vector_load %arg7[%swap3A] {strides = array<i32>} : memref<512xi32, #tpu.memory_space<vmem>>, vector<16xi32>,
        tpu.vector_store %arg7[%swap3A], %add3A_215 {strides = array<i32>} : memref<512xi32, #tpu.memory_space<vmem>>, vector<16xi32>,
      }
      %scan3A_121 = arith.constant 32 : i32
      %dma_start3A_122 = arith.constant 0 : i32
      %dma_start3A_123 = arith.constant 0 : i32
      %dma_start3A_124 = tpu.memref_slice %arg3[%dma_start3A_122, %dma_start3A_123] : memref<1015808x32xf32, #tpu.memory_space<hbm>> -> memref<1015808x32xf32, #tpu.memory_space<hbm>>
      tpu.enqueue_indirect_dma source(%dma_start3A_124 : memref<1015808x32xf32, #tpu.memory_space<hbm>>) target(%arg9 : memref<512x32xf32, #tpu.memory_space<vmem>>) offsets(%arg7 : memref<512xi32, #tpu.memory_space<vmem>>) semaphore(%arg12 : memref<!tpu.dma_semaphore, #tpu.memory_space<semaphore_mem>>)
      %dma_wait3A_125 = arith.constant 0 : i32
      %dma_wait3A_126 = tpu.memref_slice %arg6[%dma_wait3A_125] : memref<512xi32, #tpu.memory_space<vmem>> -> memref<128xi32, #tpu.memory_space<vmem>>
      %dma_wait3A_127 = tpu.memref_slice %arg2[%add3A_62] : memref<819200xi32, #tpu.memory_space<hbm>> -> memref<128xi32, #tpu.memory_space<hbm>>
      %dma_wait3A_128 = arith.constant 0 : i32
      %dma_wait3A_129 = tpu.memref_slice %arg6[%dma_wait3A_128] : memref<512xi32, #tpu.memory_space<vmem>> -> memref<128xi32, #tpu.memory_space<vmem>>
      %dma_wait3A_130 = tpu.memref_slice %arg2[%add3A_62] : memref<819200xi32, #tpu.memory_space<hbm>> -> memref<128xi32, #tpu.memory_space<hbm>>
      tpu.wait_dma2 semaphore(%arg11 : memref<!tpu.dma_semaphore, #tpu.memory_space<semaphore_mem>>) src(%dma_wait3A_130 : memref<128xi32, #tpu.memory_space<hbm>>) dst(%dma_wait3A_129 : memref<128xi32, #tpu.memory_space<vmem>>)
      %dma_wait3A_131 = arith.constant 128 : i32
      %dma_wait3A_132 = tpu.memref_slice %arg6[%dma_wait3A_131] : memref<512xi32, #tpu.memory_space<vmem>> -> memref<128xi32, #tpu.memory_space<vmem>>
      %dma_wait3A_133 = tpu.memref_slice %arg2[%add3A_70] : memref<819200xi32, #tpu.memory_space<hbm>> -> memref<128xi32, #tpu.memory_space<hbm>>
      %dma_wait3A_134 = arith.constant 128 : i32
      %dma_wait3A_135 = tpu.memref_slice %arg6[%dma_wait3A_134] : memref<512xi32, #tpu.memory_space<vmem>> -> memref<128xi32, #tpu.memory_space<vmem>>
      %dma_wait3A_136 = tpu.memref_slice %arg2[%add3A_70] : memref<819200xi32, #tpu.memory_space<hbm>> -> memref<128xi32, #tpu.memory_space<hbm>>
      tpu.wait_dma2 semaphore(%arg11 : memref<!tpu.dma_semaphore, #tpu.memory_space<semaphore_mem>>) src(%dma_wait3A_136 : memref<128xi32, #tpu.memory_space<hbm>>) dst(%dma_wait3A_135 : memref<128xi32, #tpu.memory_space<vmem>>)
      %dma_wait3A_137 = arith.constant 256 : i32
      %dma_wait3A_138 = tpu.memref_slice %arg6[%dma_wait3A_137] : memref<512xi32, #tpu.memory_space<vmem>> -> memref<128xi32, #tpu.memory_space<vmem>>
      %dma_wait3A_139 = tpu.memref_slice %arg2[%add3A_78] : memref<819200xi32, #tpu.memory_space<hbm>> -> memref<128xi32, #tpu.memory_space<hbm>>
      %dma_wait3A_140 = arith.constant 256 : i32
      %dma_wait3A_141 = tpu.memref_slice %arg6[%dma_wait3A_140] : memref<512xi32, #tpu.memory_space<vmem>> -> memref<128xi32, #tpu.memory_space<vmem>>
      %dma_wait3A_142 = tpu.memref_slice %arg2[%add3A_78] : memref<819200xi32, #tpu.memory_space<hbm>> -> memref<128xi32, #tpu.memory_space<hbm>>
      tpu.wait_dma2 semaphore(%arg11 : memref<!tpu.dma_semaphore, #tpu.memory_space<semaphore_mem>>) src(%dma_wait3A_142 : memref<128xi32, #tpu.memory_space<hbm>>) dst(%dma_wait3A_141 : memref<128xi32, #tpu.memory_space<vmem>>)
      %dma_wait3A_143 = arith.constant 384 : i32
      %dma_wait3A_144 = tpu.memref_slice %arg6[%dma_wait3A_143] : memref<512xi32, #tpu.memory_space<vmem>> -> memref<128xi32, #tpu.memory_space<vmem>>
      %dma_wait3A_145 = tpu.memref_slice %arg2[%add3A_86] : memref<819200xi32, #tpu.memory_space<hbm>> -> memref<128xi32, #tpu.memory_space<hbm>>
      %dma_wait3A_146 = arith.constant 384 : i32
      %dma_wait3A_147 = tpu.memref_slice %arg6[%dma_wait3A_146] : memref<512xi32, #tpu.memory_space<vmem>> -> memref<128xi32, #tpu.memory_space<vmem>>
      %dma_wait3A_148 = tpu.memref_slice %arg2[%add3A_86] : memref<819200xi32, #tpu.memory_space<hbm>> -> memref<128xi32, #tpu.memory_space<hbm>>
      tpu.wait_dma2 semaphore(%arg11 : memref<!tpu.dma_semaphore, #tpu.memory_space<semaphore_mem>>) src(%dma_wait3A_148 : memref<128xi32, #tpu.memory_space<hbm>>) dst(%dma_wait3A_147 : memref<128xi32, #tpu.memory_space<vmem>>)
      %scan3A_149 = arith.constant 0 : i32
      %scan3A_150 = arith.constant 0 : i32
      %scan3A_151 = arith.constant 32 : i32
      %scan3A_152 = arith.addi %scan3A_150, %scan3A_151 : i32
      %scan3A_153 = arith.constant 1 : i32
      scf.for %scan3A_184 = %scan3A_150 to %scan3A_152 step %scan3A_153  : i32 {
        %iota3A = tpu.iota {dimensions = array<i32: 0>} : vector<16xi32>
        %and3A = arith.constant 3 : i32
        %and3A_185 = vector.broadcast %and3A : i32 to vector<16xi32>
        %and3A_186 = arith.andi %iota3A, %and3A_185 : vector<16xi32>
        %mul3A_187 = arith.constant 128 : i32
        %mul3A_188 = vector.broadcast %mul3A_187 : i32 to vector<16xi32>
        %mul3A_189 = arith.muli %and3A_186, %mul3A_188 : vector<16xi32>
        %shift_right_arithmetic3A = arith.constant 2 : i32
        %shift_right_arithmetic3A_190 = vector.broadcast %shift_right_arithmetic3A : i32 to vector<16xi32>
        %shift_right_arithmetic3A_191 = arith.shrsi %iota3A, %shift_right_arithmetic3A_190 : vector<16xi32>
        %add3A_192 = arith.addi %mul3A_189, %shift_right_arithmetic3A_191 : vector<16xi32>
        %mul3A_193 = arith.constant 4 : i32
        %mul3A_194 = arith.muli %scan3A_184, %mul3A_193 : i32
        %add3A_195 = vector.broadcast %mul3A_194 : i32 to vector<16xi32>
        %add3A_196 = arith.addi %add3A_192, %add3A_195 : vector<16xi32>
        %gather3A = tpu.vector_load_idx %arg6[%add3A_196] : memref<512xi32, #tpu.memory_space<vmem>>[vector<16xi32>], vector<16xi32>,
        %shift_right_arithmetic3A_197 = arith.constant 15 : i32
        %shift_right_arithmetic3A_198 = vector.broadcast %shift_right_arithmetic3A_197 : i32 to vector<16xi32>
        %shift_right_arithmetic3A_199 = arith.shrsi %gather3A, %shift_right_arithmetic3A_198 : vector<16xi32>
        %shift_left3A = arith.constant 15 : i32
        %shift_left3A_200 = vector.broadcast %shift_left3A : i32 to vector<16xi32>
        %shift_left3A_201 = arith.shli %shift_right_arithmetic3A_199, %shift_left3A_200 : vector<16xi32>
        %and3A_202 = arith.constant 8191 : i32
        %and3A_203 = vector.broadcast %and3A_202 : i32 to vector<16xi32>
        %and3A_204 = arith.andi %gather3A, %and3A_203 : vector<16xi32>
        %shift_left3A_205 = arith.constant 2 : i32
        %shift_left3A_206 = vector.broadcast %shift_left3A_205 : i32 to vector<16xi32>
        %shift_left3A_207 = arith.shli %and3A_204, %shift_left3A_206 : vector<16xi32>
        %add3A_208 = arith.addi %shift_left3A_201, %shift_left3A_207 : vector<16xi32>
        %shift_right_arithmetic3A_209 = arith.constant 13 : i32
        %shift_right_arithmetic3A_210 = vector.broadcast %shift_right_arithmetic3A_209 : i32 to vector<16xi32>
        %shift_right_arithmetic3A_211 = arith.shrsi %gather3A, %shift_right_arithmetic3A_210 : vector<16xi32>
        %and3A_212 = arith.constant 3 : i32
        %and3A_213 = vector.broadcast %and3A_212 : i32 to vector<16xi32>
        %and3A_214 = arith.andi %shift_right_arithmetic3A_211, %and3A_213 : vector<16xi32>
        %add3A_215 = arith.addi %add3A_208, %and3A_214 : vector<16xi32>
        %mul3A_216 = arith.constant 16 : i32
        %mul3A_217 = arith.muli %scan3A_184, %mul3A_216 : i32
        %swap3A = arith.index_cast %mul3A_217 : i32 to index
        %swap3A_218 = tpu.vector_load %arg8[%swap3A] {strides = array<i32>} : memref<512xi32, #tpu.memory_space<vmem>>, vector<16xi32>,
        tpu.vector_store %arg8[%swap3A], %add3A_215 {strides = array<i32>} : memref<512xi32, #tpu.memory_space<vmem>>, vector<16xi32>,
      }
      %scan3A_154 = arith.constant 32 : i32
      %dma_start3A_155 = arith.constant 0 : i32
      %dma_start3A_156 = arith.constant 0 : i32
      %dma_start3A_157 = tpu.memref_slice %arg3[%dma_start3A_155, %dma_start3A_156] : memref<1015808x32xf32, #tpu.memory_space<hbm>> -> memref<1015808x32xf32, #tpu.memory_space<hbm>>
      tpu.enqueue_indirect_dma source(%dma_start3A_157 : memref<1015808x32xf32, #tpu.memory_space<hbm>>) target(%arg10 : memref<512x32xf32, #tpu.memory_space<vmem>>) offsets(%arg8 : memref<512xi32, #tpu.memory_space<vmem>>) semaphore(%arg13 : memref<!tpu.dma_semaphore, #tpu.memory_space<semaphore_mem>>)
      %dma_wait3A_158 = arith.constant 0 : i32
      %dma_wait3A_159 = arith.constant 0 : i32
      %dma_wait3A_160 = tpu.memref_slice %arg3[%dma_wait3A_158, %dma_wait3A_159] : memref<1015808x32xf32, #tpu.memory_space<hbm>> -> memref<1015808x32xf32, #tpu.memory_space<hbm>>
      tpu.wait_indirect_dma semaphore(%arg12 : memref<!tpu.dma_semaphore, #tpu.memory_space<semaphore_mem>>) src(%dma_wait3A_160 : memref<1015808x32xf32, #tpu.memory_space<hbm>>) dst(%arg9 : memref<512x32xf32, #tpu.memory_space<vmem>>)
      %mul3A_161 = arith.constant 512 : i32
      %mul3A_162 = arith.muli %add3A_11, %mul3A_161 : i32
      %dma_start3A_163 = arith.constant 0 : i32
      %dma_start3A_164 = tpu.memref_slice %arg4[%mul3A_162, %dma_start3A_163] : memref<819200x32xf32, #tpu.memory_space<hbm>> -> memref<512x32xf32, #tpu.memory_space<hbm>>
      %dma_start3A_165 = arith.constant 0 : i32
      %dma_start3A_166 = tpu.memref_slice %arg4[%mul3A_162, %dma_start3A_165] : memref<819200x32xf32, #tpu.memory_space<hbm>> -> memref<512x32xf32, #tpu.memory_space<hbm>>
      tpu.enqueue_dma source(%arg9 : memref<512x32xf32, #tpu.memory_space<vmem>>) target(%dma_start3A_166 : memref<512x32xf32, #tpu.memory_space<hbm>>) target_semaphore(%arg14 : memref<!tpu.dma_semaphore, #tpu.memory_space<semaphore_mem>>)
      %dma_wait3A_167 = arith.constant 0 : i32
      %dma_wait3A_168 = arith.constant 0 : i32
      %dma_wait3A_169 = tpu.memref_slice %arg3[%dma_wait3A_167, %dma_wait3A_168] : memref<1015808x32xf32, #tpu.memory_space<hbm>> -> memref<1015808x32xf32, #tpu.memory_space<hbm>>
      tpu.wait_indirect_dma semaphore(%arg13 : memref<!tpu.dma_semaphore, #tpu.memory_space<semaphore_mem>>) src(%dma_wait3A_169 : memref<1015808x32xf32, #tpu.memory_space<hbm>>) dst(%arg10 : memref<512x32xf32, #tpu.memory_space<vmem>>)
      %mul3A_170 = arith.constant 512 : i32
      %mul3A_171 = arith.muli %add3A_13, %mul3A_170 : i32
      %dma_start3A_172 = arith.constant 0 : i32
      %dma_start3A_173 = tpu.memref_slice %arg4[%mul3A_171, %dma_start3A_172] : memref<819200x32xf32, #tpu.memory_space<hbm>> -> memref<512x32xf32, #tpu.memory_space<hbm>>
      %dma_start3A_174 = arith.constant 0 : i32
      %dma_start3A_175 = tpu.memref_slice %arg4[%mul3A_171, %dma_start3A_174] : memref<819200x32xf32, #tpu.memory_space<hbm>> -> memref<512x32xf32, #tpu.memory_space<hbm>>
      tpu.enqueue_dma source(%arg10 : memref<512x32xf32, #tpu.memory_space<vmem>>) target(%dma_start3A_175 : memref<512x32xf32, #tpu.memory_space<hbm>>) target_semaphore(%arg14 : memref<!tpu.dma_semaphore, #tpu.memory_space<semaphore_mem>>)
      %dma_wait3A_176 = arith.constant 0 : i32
      %dma_wait3A_177 = tpu.memref_slice %arg4[%mul3A_162, %dma_wait3A_176] : memref<819200x32xf32, #tpu.memory_space<hbm>> -> memref<512x32xf32, #tpu.memory_space<hbm>>
      %dma_wait3A_178 = arith.constant 0 : i32
      %dma_wait3A_179 = tpu.memref_slice %arg4[%mul3A_162, %dma_wait3A_178] : memref<819200x32xf32, #tpu.memory_space<hbm>> -> memref<512x32xf32, #tpu.memory_space<hbm>>
      tpu.wait_dma2 semaphore(%arg14 : memref<!tpu.dma_semaphore, #tpu.memory_space<semaphore_mem>>) src(%arg9 : memref<512x32xf32, #tpu.memory_space<vmem>>) dst(%dma_wait3A_179 : memref<512x32xf32, #tpu.memory_space<hbm>>)
      %dma_wait3A_180 = arith.constant 0 : i32
      %dma_wait3A_181 = tpu.memref_slice %arg4[%mul3A_171, %dma_wait3A_180] : memref<819200x32xf32, #tpu.memory_space<hbm>> -> memref<512x32xf32, #tpu.memory_space<hbm>>
      %dma_wait3A_182 = arith.constant 0 : i32
      %dma_wait3A_183 = tpu.memref_slice %arg4[%mul3A_171, %dma_wait3A_182] : memref<819200x32xf32, #tpu.memory_space<hbm>> -> memref<512x32xf32, #tpu.memory_space<hbm>>
      tpu.wait_dma2 semaphore(%arg14 : memref<!tpu.dma_semaphore, #tpu.memory_space<semaphore_mem>>) src(%arg10 : memref<512x32xf32, #tpu.memory_space<vmem>>) dst(%dma_wait3A_183 : memref<512x32xf32, #tpu.memory_space<hbm>>)
    }
    %scan3A_5 = arith.constant 25 : i32
    return
  }
}

module attributes {stable_mosaic.version = 14 : i64} {
  func.func @_detile_body(%arg0: i32, %arg1: memref<8x16384xi32, #tpu.memory_space<vmem>>, %arg2: memref<64x2048xi32, #tpu.memory_space<vmem>>) attributes {dimension_semantics = [#tpu.dimension_semantics<arbitrary>], iteration_bounds = array<i64: 7>, scalar_prefetch = 0 : i64, scratch_operands = 0 : i64, tpu.core_type = #tpu.core_type<tc>, window_params = [{transform_indices = @transform_0, window_bounds = array<i64: 8, 16384>}, {transform_indices = @transform_1, window_bounds = array<i64: 64, 2048>}]} {
    %get3A = arith.constant 0 : index
    %get3A_0 = arith.constant 0 : index
    %get3A_1 = vector.load %arg1[%get3A, %get3A_0] : memref<8x16384xi32, #tpu.memory_space<vmem>>, vector<8x16384xi32>
    %reshape3A = vector.shape_cast %get3A_1 : vector<8x16384xi32> to vector<64x2048xi32>
    %swap3A = arith.constant 0 : index
    %swap3A_2 = arith.constant 0 : index
    %swap3A_3 = vector.load %arg2[%swap3A, %swap3A_2] : memref<64x2048xi32, #tpu.memory_space<vmem>>, vector<64x2048xi32>
    tpu.vector_store %arg2[%swap3A, %swap3A_2], %reshape3A {strides = array<i32>} : memref<64x2048xi32, #tpu.memory_space<vmem>>, vector<64x2048xi32>,
    return
  }
  func.func @transform_0(%arg0: i32) -> (i32, i32) {
    %c0_i32 = arith.constant 0 : i32
    %c0_i32_0 = arith.constant 0 : i32
    return %arg0, %c0_i32 : i32, i32
  }
  func.func @transform_1(%arg0: i32) -> (i32, i32) {
    %c0_i32 = arith.constant 0 : i32
    %c0_i32_0 = arith.constant 0 : i32
    return %arg0, %c0_i32 : i32, i32
  }
}

module attributes {stable_mosaic.version = 14 : i64} {
  func.func @_table_relayout_body(%arg0: i32, %arg1: memref<32x32768xf32, #tpu.memory_space<vmem>>, %arg2: memref<128x128xf32, #tpu.memory_space<vmem>>, %arg3: memref<8192x128xf32, #tpu.memory_space<vmem>>) attributes {dimension_semantics = [#tpu.dimension_semantics<arbitrary>], iteration_bounds = array<i64: 31>, scalar_prefetch = 0 : i64, scratch_operands = 0 : i64, tpu.core_type = #tpu.core_type<tc>, window_params = [{transform_indices = @transform_0, window_bounds = array<i64: 32, 32768>}, {pipeline_mode = #tpu.pipeline_mode<synchronous>, transform_indices = @transform_1, window_bounds = array<i64: 128, 128>}, {transform_indices = @transform_2, window_bounds = array<i64: 8192, 128>}]} {
    %get3A = arith.constant 0 : index
    %get3A_0 = arith.constant 0 : index
    %get3A_1 = vector.load %arg1[%get3A, %get3A_0] : memref<32x32768xf32, #tpu.memory_space<vmem>>, vector<32x32768xf32>
    %reshape3A = vector.shape_cast %get3A_1 : vector<32x32768xf32> to vector<128x8192xf32>
    %get3A_2 = arith.constant 0 : index
    %get3A_3 = arith.constant 0 : index
    %get3A_4 = vector.load %arg2[%get3A_2, %get3A_3] : memref<128x128xf32, #tpu.memory_space<vmem>>, vector<128x128xf32>
    %dot_general3A = arith.constant dense<0.000000e+00> : vector<8192x128xf32>
    %dot_general3A_5 = tpu.matmul %reshape3A, %get3A_4, %dot_general3A {dimension_numbers = #tpu.dot_dimension_numbers<[0], [0], [1], [1], [0, 1, 1, 1], [], []>, transpose_lhs_hint = false} : vector<128x8192xf32>, vector<128x128xf32>, vector<8192x128xf32> -> vector<8192x128xf32>
    %swap3A = arith.constant 0 : index
    %swap3A_6 = arith.constant 0 : index
    %swap3A_7 = vector.load %arg3[%swap3A, %swap3A_6] : memref<8192x128xf32, #tpu.memory_space<vmem>>, vector<8192x128xf32>
    tpu.vector_store %arg3[%swap3A, %swap3A_6], %dot_general3A_5 {strides = array<i32>} : memref<8192x128xf32, #tpu.memory_space<vmem>>, vector<8192x128xf32>,
    return
  }
  func.func @transform_0(%arg0: i32) -> (i32, i32) {
    %c0_i32 = arith.constant 0 : i32
    %c0_i32_0 = arith.constant 0 : i32
    return %c0_i32, %arg0 : i32, i32
  }
  func.func @transform_1(%arg0: i32) -> (i32, i32) {
    %c0_i32 = arith.constant 0 : i32
    %c0_i32_0 = arith.constant 0 : i32
    %c0_i32_1 = arith.constant 0 : i32
    return %c0_i32, %c0_i32_0 : i32, i32
  }
  func.func @transform_2(%arg0: i32) -> (i32, i32) {
    %c0_i32 = arith.constant 0 : i32
    %c0_i32_0 = arith.constant 0 : i32
    return %arg0, %c0_i32 : i32, i32
  }
}

module attributes {stable_mosaic.version = 14 : i64} {
  func.func @_linear_relu_body(%arg0: i32, %arg1: memref<8192x128xf32, #tpu.memory_space<vmem>>, %arg2: memref<32x32xf32, #tpu.memory_space<vmem>>, %arg3: memref<32x1xf32, #tpu.memory_space<vmem>>, %arg4: memref<2x32x16384xf32, #tpu.memory_space<vmem>>) attributes {dimension_semantics = [#tpu.dimension_semantics<arbitrary>], iteration_bounds = array<i64: 25>, scalar_prefetch = 0 : i64, scratch_operands = 0 : i64, tpu.core_type = #tpu.core_type<tc>, window_params = [{transform_indices = @transform_0, window_bounds = array<i64: 8192, 128>}, {pipeline_mode = #tpu.pipeline_mode<synchronous>, transform_indices = @transform_1, window_bounds = array<i64: 32, 32>}, {pipeline_mode = #tpu.pipeline_mode<synchronous>, transform_indices = @transform_2, window_bounds = array<i64: 32, 1>}, {transform_indices = @transform_3, window_bounds = array<i64: 2, 32, 16384>}]} {
    %get3A = arith.constant 0 : index
    %get3A_0 = arith.constant 0 : index
    %get3A_1 = vector.load %arg2[%get3A, %get3A_0] : memref<32x32xf32, #tpu.memory_space<vmem>>, vector<32x32xf32>
    %get3A_2 = arith.constant 0 : index
    %get3A_3 = arith.constant 0 : index
    %get3A_4 = vector.load %arg3[%get3A_2, %get3A_3] : memref<32x1xf32, #tpu.memory_space<vmem>>, vector<32x1xf32>
    %get3A_5 = arith.constant 0 : index
    %get3A_6 = arith.constant 0 : index
    %get3A_7 = vector.load %arg1[%get3A_5, %get3A_6] : memref<8192x128xf32, #tpu.memory_space<vmem>>, vector<4096x128xf32>
    %slice3A = vector.extract_strided_slice %get3A_7 {offsets = [0, 0], sizes = [4096, 32], strides = [1, 1]} : vector<4096x128xf32> to vector<4096x32xf32>
    %dot_general3A = arith.constant dense<0.000000e+00> : vector<32x4096xf32>
    %dot_general3A_8 = tpu.matmul %get3A_1, %slice3A, %dot_general3A {dimension_numbers = #tpu.dot_dimension_numbers<[1], [1], [0], [0], [0, 0, 1, 0], [], []>, transpose_lhs_hint = false} : vector<32x32xf32>, vector<4096x32xf32>, vector<32x4096xf32> -> vector<32x4096xf32>
    %add3A = vector.broadcast %get3A_4 : vector<32x1xf32> to vector<32x4096xf32>
    %add3A_9 = arith.addf %dot_general3A_8, %add3A : vector<32x4096xf32>
    %max3A = arith.constant 0.000000e+00 : f32
    %max3A_10 = vector.broadcast %max3A : f32 to vector<32x4096xf32>
    %max3A_11 = arith.maximumf %add3A_9, %max3A_10 : vector<32x4096xf32>
    %swap3A = arith.constant 0 : index
    %swap3A_12 = arith.constant 0 : index
    %swap3A_13 = arith.constant 0 : index
    %swap3A_14 = vector.load %arg4[%swap3A, %swap3A_12, %swap3A_13] : memref<2x32x16384xf32, #tpu.memory_space<vmem>>, vector<1x32x4096xf32>
    %swap3A_15 = vector.shape_cast %swap3A_14 : vector<1x32x4096xf32> to vector<32x4096xf32>
    %swap3A_16 = vector.shape_cast %max3A_11 : vector<32x4096xf32> to vector<1x32x4096xf32>
    tpu.vector_store %arg4[%swap3A, %swap3A_12, %swap3A_13], %swap3A_16 {strides = array<i32>} : memref<2x32x16384xf32, #tpu.memory_space<vmem>>, vector<1x32x4096xf32>,
    %slice3A_17 = vector.extract_strided_slice %get3A_7 {offsets = [0, 32], sizes = [4096, 32], strides = [1, 1]} : vector<4096x128xf32> to vector<4096x32xf32>
    %dot_general3A_18 = arith.constant dense<0.000000e+00> : vector<32x4096xf32>
    %dot_general3A_19 = tpu.matmul %get3A_1, %slice3A_17, %dot_general3A_18 {dimension_numbers = #tpu.dot_dimension_numbers<[1], [1], [0], [0], [0, 0, 1, 0], [], []>, transpose_lhs_hint = false} : vector<32x32xf32>, vector<4096x32xf32>, vector<32x4096xf32> -> vector<32x4096xf32>
    %add3A_20 = vector.broadcast %get3A_4 : vector<32x1xf32> to vector<32x4096xf32>
    %add3A_21 = arith.addf %dot_general3A_19, %add3A_20 : vector<32x4096xf32>
    %max3A_22 = arith.constant 0.000000e+00 : f32
    %max3A_23 = vector.broadcast %max3A_22 : f32 to vector<32x4096xf32>
    %max3A_24 = arith.maximumf %add3A_21, %max3A_23 : vector<32x4096xf32>
    %swap3A_25 = arith.constant 0 : index
    %swap3A_26 = arith.constant 0 : index
    %swap3A_27 = arith.constant 4096 : index
    %swap3A_28 = vector.load %arg4[%swap3A_25, %swap3A_26, %swap3A_27] : memref<2x32x16384xf32, #tpu.memory_space<vmem>>, vector<1x32x4096xf32>
    %swap3A_29 = vector.shape_cast %swap3A_28 : vector<1x32x4096xf32> to vector<32x4096xf32>
    %swap3A_30 = vector.shape_cast %max3A_24 : vector<32x4096xf32> to vector<1x32x4096xf32>
    tpu.vector_store %arg4[%swap3A_25, %swap3A_26, %swap3A_27], %swap3A_30 {strides = array<i32>} : memref<2x32x16384xf32, #tpu.memory_space<vmem>>, vector<1x32x4096xf32>,
    %slice3A_31 = vector.extract_strided_slice %get3A_7 {offsets = [0, 64], sizes = [4096, 32], strides = [1, 1]} : vector<4096x128xf32> to vector<4096x32xf32>
    %dot_general3A_32 = arith.constant dense<0.000000e+00> : vector<32x4096xf32>
    %dot_general3A_33 = tpu.matmul %get3A_1, %slice3A_31, %dot_general3A_32 {dimension_numbers = #tpu.dot_dimension_numbers<[1], [1], [0], [0], [0, 0, 1, 0], [], []>, transpose_lhs_hint = false} : vector<32x32xf32>, vector<4096x32xf32>, vector<32x4096xf32> -> vector<32x4096xf32>
    %add3A_34 = vector.broadcast %get3A_4 : vector<32x1xf32> to vector<32x4096xf32>
    %add3A_35 = arith.addf %dot_general3A_33, %add3A_34 : vector<32x4096xf32>
    %max3A_36 = arith.constant 0.000000e+00 : f32
    %max3A_37 = vector.broadcast %max3A_36 : f32 to vector<32x4096xf32>
    %max3A_38 = arith.maximumf %add3A_35, %max3A_37 : vector<32x4096xf32>
    %swap3A_39 = arith.constant 0 : index
    %swap3A_40 = arith.constant 0 : index
    %swap3A_41 = arith.constant 8192 : index
    %swap3A_42 = vector.load %arg4[%swap3A_39, %swap3A_40, %swap3A_41] : memref<2x32x16384xf32, #tpu.memory_space<vmem>>, vector<1x32x4096xf32>
    %swap3A_43 = vector.shape_cast %swap3A_42 : vector<1x32x4096xf32> to vector<32x4096xf32>
    %swap3A_44 = vector.shape_cast %max3A_38 : vector<32x4096xf32> to vector<1x32x4096xf32>
    tpu.vector_store %arg4[%swap3A_39, %swap3A_40, %swap3A_41], %swap3A_44 {strides = array<i32>} : memref<2x32x16384xf32, #tpu.memory_space<vmem>>, vector<1x32x4096xf32>,
    %slice3A_45 = vector.extract_strided_slice %get3A_7 {offsets = [0, 96], sizes = [4096, 32], strides = [1, 1]} : vector<4096x128xf32> to vector<4096x32xf32>
    %dot_general3A_46 = arith.constant dense<0.000000e+00> : vector<32x4096xf32>
    %dot_general3A_47 = tpu.matmul %get3A_1, %slice3A_45, %dot_general3A_46 {dimension_numbers = #tpu.dot_dimension_numbers<[1], [1], [0], [0], [0, 0, 1, 0], [], []>, transpose_lhs_hint = false} : vector<32x32xf32>, vector<4096x32xf32>, vector<32x4096xf32> -> vector<32x4096xf32>
    %add3A_48 = vector.broadcast %get3A_4 : vector<32x1xf32> to vector<32x4096xf32>
    %add3A_49 = arith.addf %dot_general3A_47, %add3A_48 : vector<32x4096xf32>
    %max3A_50 = arith.constant 0.000000e+00 : f32
    %max3A_51 = vector.broadcast %max3A_50 : f32 to vector<32x4096xf32>
    %max3A_52 = arith.maximumf %add3A_49, %max3A_51 : vector<32x4096xf32>
    %swap3A_53 = arith.constant 0 : index
    %swap3A_54 = arith.constant 0 : index
    %swap3A_55 = arith.constant 12288 : index
    %swap3A_56 = vector.load %arg4[%swap3A_53, %swap3A_54, %swap3A_55] : memref<2x32x16384xf32, #tpu.memory_space<vmem>>, vector<1x32x4096xf32>
    %swap3A_57 = vector.shape_cast %swap3A_56 : vector<1x32x4096xf32> to vector<32x4096xf32>
    %swap3A_58 = vector.shape_cast %max3A_52 : vector<32x4096xf32> to vector<1x32x4096xf32>
    tpu.vector_store %arg4[%swap3A_53, %swap3A_54, %swap3A_55], %swap3A_58 {strides = array<i32>} : memref<2x32x16384xf32, #tpu.memory_space<vmem>>, vector<1x32x4096xf32>,
    %get3A_59 = arith.constant 4096 : index
    %get3A_60 = arith.constant 0 : index
    %get3A_61 = vector.load %arg1[%get3A_59, %get3A_60] : memref<8192x128xf32, #tpu.memory_space<vmem>>, vector<4096x128xf32>
    %slice3A_62 = vector.extract_strided_slice %get3A_61 {offsets = [0, 0], sizes = [4096, 32], strides = [1, 1]} : vector<4096x128xf32> to vector<4096x32xf32>
    %dot_general3A_63 = arith.constant dense<0.000000e+00> : vector<32x4096xf32>
    %dot_general3A_64 = tpu.matmul %get3A_1, %slice3A_62, %dot_general3A_63 {dimension_numbers = #tpu.dot_dimension_numbers<[1], [1], [0], [0], [0, 0, 1, 0], [], []>, transpose_lhs_hint = false} : vector<32x32xf32>, vector<4096x32xf32>, vector<32x4096xf32> -> vector<32x4096xf32>
    %add3A_65 = vector.broadcast %get3A_4 : vector<32x1xf32> to vector<32x4096xf32>
    %add3A_66 = arith.addf %dot_general3A_64, %add3A_65 : vector<32x4096xf32>
    %max3A_67 = arith.constant 0.000000e+00 : f32
    %max3A_68 = vector.broadcast %max3A_67 : f32 to vector<32x4096xf32>
    %max3A_69 = arith.maximumf %add3A_66, %max3A_68 : vector<32x4096xf32>
    %swap3A_70 = arith.constant 1 : index
    %swap3A_71 = arith.constant 0 : index
    %swap3A_72 = arith.constant 0 : index
    %swap3A_73 = vector.load %arg4[%swap3A_70, %swap3A_71, %swap3A_72] : memref<2x32x16384xf32, #tpu.memory_space<vmem>>, vector<1x32x4096xf32>
    %swap3A_74 = vector.shape_cast %swap3A_73 : vector<1x32x4096xf32> to vector<32x4096xf32>
    %swap3A_75 = vector.shape_cast %max3A_69 : vector<32x4096xf32> to vector<1x32x4096xf32>
    tpu.vector_store %arg4[%swap3A_70, %swap3A_71, %swap3A_72], %swap3A_75 {strides = array<i32>} : memref<2x32x16384xf32, #tpu.memory_space<vmem>>, vector<1x32x4096xf32>,
    %slice3A_76 = vector.extract_strided_slice %get3A_61 {offsets = [0, 32], sizes = [4096, 32], strides = [1, 1]} : vector<4096x128xf32> to vector<4096x32xf32>
    %dot_general3A_77 = arith.constant dense<0.000000e+00> : vector<32x4096xf32>
    %dot_general3A_78 = tpu.matmul %get3A_1, %slice3A_76, %dot_general3A_77 {dimension_numbers = #tpu.dot_dimension_numbers<[1], [1], [0], [0], [0, 0, 1, 0], [], []>, transpose_lhs_hint = false} : vector<32x32xf32>, vector<4096x32xf32>, vector<32x4096xf32> -> vector<32x4096xf32>
    %add3A_79 = vector.broadcast %get3A_4 : vector<32x1xf32> to vector<32x4096xf32>
    %add3A_80 = arith.addf %dot_general3A_78, %add3A_79 : vector<32x4096xf32>
    %max3A_81 = arith.constant 0.000000e+00 : f32
    %max3A_82 = vector.broadcast %max3A_81 : f32 to vector<32x4096xf32>
    %max3A_83 = arith.maximumf %add3A_80, %max3A_82 : vector<32x4096xf32>
    %swap3A_84 = arith.constant 1 : index
    %swap3A_85 = arith.constant 0 : index
    %swap3A_86 = arith.constant 4096 : index
    %swap3A_87 = vector.load %arg4[%swap3A_84, %swap3A_85, %swap3A_86] : memref<2x32x16384xf32, #tpu.memory_space<vmem>>, vector<1x32x4096xf32>
    %swap3A_88 = vector.shape_cast %swap3A_87 : vector<1x32x4096xf32> to vector<32x4096xf32>
    %swap3A_89 = vector.shape_cast %max3A_83 : vector<32x4096xf32> to vector<1x32x4096xf32>
    tpu.vector_store %arg4[%swap3A_84, %swap3A_85, %swap3A_86], %swap3A_89 {strides = array<i32>} : memref<2x32x16384xf32, #tpu.memory_space<vmem>>, vector<1x32x4096xf32>,
    %slice3A_90 = vector.extract_strided_slice %get3A_61 {offsets = [0, 64], sizes = [4096, 32], strides = [1, 1]} : vector<4096x128xf32> to vector<4096x32xf32>
    %dot_general3A_91 = arith.constant dense<0.000000e+00> : vector<32x4096xf32>
    %dot_general3A_92 = tpu.matmul %get3A_1, %slice3A_90, %dot_general3A_91 {dimension_numbers = #tpu.dot_dimension_numbers<[1], [1], [0], [0], [0, 0, 1, 0], [], []>, transpose_lhs_hint = false} : vector<32x32xf32>, vector<4096x32xf32>, vector<32x4096xf32> -> vector<32x4096xf32>
    %add3A_93 = vector.broadcast %get3A_4 : vector<32x1xf32> to vector<32x4096xf32>
    %add3A_94 = arith.addf %dot_general3A_92, %add3A_93 : vector<32x4096xf32>
    %max3A_95 = arith.constant 0.000000e+00 : f32
    %max3A_96 = vector.broadcast %max3A_95 : f32 to vector<32x4096xf32>
    %max3A_97 = arith.maximumf %add3A_94, %max3A_96 : vector<32x4096xf32>
    %swap3A_98 = arith.constant 1 : index
    %swap3A_99 = arith.constant 0 : index
    %swap3A_100 = arith.constant 8192 : index
    %swap3A_101 = vector.load %arg4[%swap3A_98, %swap3A_99, %swap3A_100] : memref<2x32x16384xf32, #tpu.memory_space<vmem>>, vector<1x32x4096xf32>
    %swap3A_102 = vector.shape_cast %swap3A_101 : vector<1x32x4096xf32> to vector<32x4096xf32>
    %swap3A_103 = vector.shape_cast %max3A_97 : vector<32x4096xf32> to vector<1x32x4096xf32>
    tpu.vector_store %arg4[%swap3A_98, %swap3A_99, %swap3A_100], %swap3A_103 {strides = array<i32>} : memref<2x32x16384xf32, #tpu.memory_space<vmem>>, vector<1x32x4096xf32>,
    %slice3A_104 = vector.extract_strided_slice %get3A_61 {offsets = [0, 96], sizes = [4096, 32], strides = [1, 1]} : vector<4096x128xf32> to vector<4096x32xf32>
    %dot_general3A_105 = arith.constant dense<0.000000e+00> : vector<32x4096xf32>
    %dot_general3A_106 = tpu.matmul %get3A_1, %slice3A_104, %dot_general3A_105 {dimension_numbers = #tpu.dot_dimension_numbers<[1], [1], [0], [0], [0, 0, 1, 0], [], []>, transpose_lhs_hint = false} : vector<32x32xf32>, vector<4096x32xf32>, vector<32x4096xf32> -> vector<32x4096xf32>
    %add3A_107 = vector.broadcast %get3A_4 : vector<32x1xf32> to vector<32x4096xf32>
    %add3A_108 = arith.addf %dot_general3A_106, %add3A_107 : vector<32x4096xf32>
    %max3A_109 = arith.constant 0.000000e+00 : f32
    %max3A_110 = vector.broadcast %max3A_109 : f32 to vector<32x4096xf32>
    %max3A_111 = arith.maximumf %add3A_108, %max3A_110 : vector<32x4096xf32>
    %swap3A_112 = arith.constant 1 : index
    %swap3A_113 = arith.constant 0 : index
    %swap3A_114 = arith.constant 12288 : index
    %swap3A_115 = vector.load %arg4[%swap3A_112, %swap3A_113, %swap3A_114] : memref<2x32x16384xf32, #tpu.memory_space<vmem>>, vector<1x32x4096xf32>
    %swap3A_116 = vector.shape_cast %swap3A_115 : vector<1x32x4096xf32> to vector<32x4096xf32>
    %swap3A_117 = vector.shape_cast %max3A_111 : vector<32x4096xf32> to vector<1x32x4096xf32>
    tpu.vector_store %arg4[%swap3A_112, %swap3A_113, %swap3A_114], %swap3A_117 {strides = array<i32>} : memref<2x32x16384xf32, #tpu.memory_space<vmem>>, vector<1x32x4096xf32>,
    return
  }
  func.func @transform_0(%arg0: i32) -> (i32, i32) {
    %c0_i32 = arith.constant 0 : i32
    %c0_i32_0 = arith.constant 0 : i32
    return %arg0, %c0_i32 : i32, i32
  }
  func.func @transform_1(%arg0: i32) -> (i32, i32) {
    %c0_i32 = arith.constant 0 : i32
    %c0_i32_0 = arith.constant 0 : i32
    %c0_i32_1 = arith.constant 0 : i32
    return %c0_i32, %c0_i32_0 : i32, i32
  }
  func.func @transform_2(%arg0: i32) -> (i32, i32) {
    %c0_i32 = arith.constant 0 : i32
    %c0_i32_0 = arith.constant 0 : i32
    %c0_i32_1 = arith.constant 0 : i32
    return %c0_i32, %c0_i32_0 : i32, i32
  }
  func.func @transform_3(%arg0: i32) -> (i32, i32, i32) {
    %c0_i32 = arith.constant 0 : i32
    %c0_i32_0 = arith.constant 0 : i32
    %c0_i32_1 = arith.constant 0 : i32
    return %arg0, %c0_i32, %c0_i32_0 : i32, i32, i32
  }
}

</mosaic_0001>

<sc_bundles>
// kernel: kernel.6.cloned.1.call-start
scs
__scs_entry_jumppad:
0x0: {  	(pc) =	sbr.rel $0x88, $3  }
0x1: {  	(tag) =	ssettag $0x0;
	lr =	simm.s32 $0x1  }
0x2: {  	[smem:$0x3F9D] =	sst lr;
	_ =	strace $0xD0000000  }
0x3: {  	_ = 	snop  }
0x4: {  	_ = 	snop  }
0x5: {  	_ = 	snop  }
0x6: {  	_ = 	snop  }
0x7: {  	_ = 	snop  }
__scs_overlays_trampoline_lowered:
0x8: {  	[smem:$0x3FAC] =	sst s0  }
0x9: {  	[smem:$0x3FAD] =	sst s1  }
0xa: {  	[smem:$0x3FAE] =	sst s2  }
0xb: {  	[smem:$0x3FAF] =	sst s3  }
0xc: {  	[smem:$0x3FB0] =	sst s4  }
0xd: {  	[smem:$0x3FB1] =	sst s5  }
0xe: {  	[smem:$0x3FB2] =	sst s6  }
0xf: {  	[smem:$0x3FB3] =	sst s7  }
0x10: {  	[smem:$0x3FB4] =	sst s8  }
0x11: {  	[smem:$0x3FB5] =	sst s9;
	s0 =	simm.s32 @!p0 $0x0  }
0x12: {  	s1 =	sld [smem:$0x3F9B];
	s0 =	simm.s32 @p0 $0x1  }
0x13: {  	[smem:$0x3FB6] =	sst s0;
	s0 =	simm.s32 @!p1 $0x0  }
0x14: {  	s2 =	sld [smem:$0x3F9A];
	s0 =	simm.s32 @p1 $0x1  }
0x15: {  	[smem:$0x3FB7] =	sst s0;
	s0 =	simm.s32 @!p2 $0x0  }
0x16: {  	s3 =	sld [smem:$0x3FDB];
	s0 =	simm.s32 @p2 $0x1  }
0x17: {  	s4 =	simm.s32 $0x1BF5;
	[smem:$0x3FB9] =	sst s0  }
0x18: {  	s0 =	sld [smem:$0x3F9C];
	_ =	swait.ge [sflag:s4], $0x0  }
0x19: {  	s7 =	sld [smem:$0x3F9D]  }
0x1a: {  	s8 =	sadd.s32 $0xFFFFE003, lr  }
0x1b: {  	s9 =	sadd.s32 $0xFFFFFEF7, lr;
	s5 =	simm.s32 $0xFFFFFFFF;
	p2 =	slt.u32 s8, $0xFFFFF086  }
0x1c: {  	p1 =	slt.u32 s9, $0xF7A;
	s5 =	simm.s32 @!p2 $0x0  }
0x1d: {  	s5 =	simm.s32 @p1 $0x1;
	p0 =	seq.s32 s7, s2  }
0x1e: {  	s7 =	smul.u32 @!p0 $0xF7A, s2;
	p2 =	seq.s32 @!p0 s5, $0x0  }
0x1f: {  	s9 =	smul.u32 $0xF7A, s1;
	s8 =	simm.s32 @!p0 $0x1BF5;
	p2 =	por !p2, p0  }
0x20: {  	[sflag:s8] =	ssyncset.s32 @!p0 $0xFFFFF086;
	s6 =	sadd.s32 @!p0 s3, s7;
	s7 =	simm.s32 @!p0 $0x108  }
0x21: {  	s3 =	sadd.s32 s3, s9;
	s6 =	sadd.s32 @!p0 $0x88, s6;
	s7 =	simm.s32 @p2 $0x1082  }
0x22: {  	[simem:s7], [sflag:s8] =	dma.local @!p0 [hbm:s6], $0xF7A  }
0x23: {  	s9 =	sor.u32 $0xD0000000, s2;
	s6 =	simm.s32 $0x108;
	_ =	swait.ge @!p0 [sflag:s8], $0x0  }
0x24: {  	s3 =	sadd.s32 $0x88, s3;
	s6 =	simm.s32 @!p1 $0x1082;
	[sflag:s4] =	ssyncset.s32 $0xFFFFF086  }
0x25: {  	[simem:s6], [sflag:s4] =	dma.local [hbm:s3], $0xF7A  }
0x26: {  	[smem:$0x3F9D] =	sst s1;
	(tag) =	ssettag s2;
	_ =	strace s9  }
0x27: {  	s1 =	sld [smem:$0x3FAD]  }
0x28: {  	s2 =	sld [smem:$0x3FAE]  }
0x29: {  	s4 =	sld [smem:$0x3FB0]  }
0x2a: {  	p0 =	seq.s32 s5, $0x0;
	s5 =	sld [smem:$0x3FB1]  }
0x2b: {  	s6 =	sld [smem:$0x3FB2]  }
0x2c: {  	s7 =	sld [smem:$0x3FB3]  }
0x2d: {  	s3 =	simm.s32 $0x108;
	s8 =	sld [smem:$0x3FB4]  }
0x2e: {  	s3 =	simm.s32 @!p0 $0x1082;
	s9 =	sld [smem:$0x3FB5]  }
0x2f: {  	lr =	sadd.s32 s0, s3;
	s0 =	sld [smem:$0x3FAC]  }
0x30: {  	s3 =	sld [smem:$0x3FAF]  }
0x31: {  	[smem:$0x3FB8] =	sst s10  }
0x32: {  	s10 =	sld [smem:$0x3FB6];
	_ =	sdelay $0x3  }
0x33: {  	p0 =	seq.s32 s10, $0x1;
	s10 =	sld [smem:$0x3FB8];
	_ =	sdelay $0x3  }
0x34: {  	[smem:$0x3FB8] =	sst s10  }
0x35: {  	s10 =	sld [smem:$0x3FB7];
	_ =	sdelay $0x3  }
0x36: {  	p1 =	seq.s32 s10, $0x1;
	s10 =	sld [smem:$0x3FB8];
	_ =	sdelay $0x3  }
0x37: {  	[smem:$0x3FB8] =	sst s10  }
0x38: {  	s10 =	sld [smem:$0x3FB9]  }
0x39: {  	_ = 	snop;
	(pc) =	sbr.ind lr, $3  }
0x3a: {  	_ = 	snop  }
0x3b: {  	_ = 	snop  }
0x3c: {  	p2 =	seq.s32 s10, $0x1;
	s10 =	sld [smem:$0x3FB8]  }
0x3d: {  	_ =	shalt  }
0x3e: {  	_ =	shalt  }
0x3f: {  	_ =	shalt  }
0x40: {  	_ =	shalt  }
0x41: {  	_ =	shalt  }
0x42: {  	_ =	shalt  }
0x43: {  	_ =	shalt  }
0x44: {  	_ =	shalt  }
0x45: {  	_ =	shalt  }
0x46: {  	_ =	shalt  }
0x47: {  	_ =	shalt  }
0x48: {  	_ =	shalt  }
0x49: {  	_ =	shalt  }
0x4a: {  	_ =	shalt  }
0x4b: {  	_ =	shalt  }
0x4c: {  	_ =	shalt  }
0x4d: {  	_ =	shalt  }
0x4e: {  	_ =	shalt  }
0x4f: {  	_ =	shalt  }
0x50: {  	_ =	shalt  }
0x51: {  	_ =	shalt  }
0x52: {  	_ =	shalt  }
0x53: {  	_ =	shalt  }
0x54: {  	_ =	shalt  }
0x55: {  	_ =	shalt  }
0x56: {  	_ =	shalt  }
0x57: {  	_ =	shalt  }
0x58: {  	_ =	shalt  }
0x59: {  	_ =	shalt  }
0x5a: {  	_ =	shalt  }
0x5b: {  	_ =	shalt  }
0x5c: {  	_ =	shalt  }
0x5d: {  	_ =	shalt  }
0x5e: {  	_ =	shalt  }
0x5f: {  	_ =	shalt  }
0x60: {  	_ =	shalt  }
0x61: {  	_ =	shalt  }
0x62: {  	_ =	shalt  }
0x63: {  	_ =	shalt  }
0x64: {  	_ =	shalt  }
0x65: {  	_ =	shalt  }
0x66: {  	_ =	shalt  }
0x67: {  	_ =	shalt  }
0x68: {  	_ =	shalt  }
0x69: {  	_ =	shalt  }
0x6a: {  	_ =	shalt  }
0x6b: {  	_ =	shalt  }
0x6c: {  	_ =	shalt  }
0x6d: {  	_ =	shalt  }
0x6e: {  	_ =	shalt  }
0x6f: {  	_ =	shalt  }
0x70: {  	_ =	shalt  }
0x71: {  	_ =	shalt  }
0x72: {  	_ =	shalt  }
0x73: {  	_ =	shalt  }
0x74: {  	_ =	shalt  }
0x75: {  	_ =	shalt  }
0x76: {  	_ =	shalt  }
0x77: {  	_ =	shalt  }
0x78: {  	_ =	shalt  }
0x79: {  	_ =	shalt  }
0x7a: {  	_ =	shalt  }
0x7b: {  	_ =	shalt  }
0x7c: {  	_ =	shalt  }
0x7d: {  	_ =	shalt  }
0x7e: {  	_ =	shalt  }
0x7f: {  	_ =	shalt  }
0x80: {  	_ =	shalt  }
0x81: {  	_ =	shalt  }
0x82: {  	_ =	shalt  }
0x83: {  	_ =	shalt  }
0x84: {  	_ =	shalt  }
0x85: {  	_ =	shalt  }
0x86: {  	_ =	shalt  }
0x87: {  	_ =	shalt  }
.Lfunc_end0:
.L_simem_size_0:
called_computation_lowered:
.L_overlay_start_0:
0x88: {  	s2 =	sld [smem:$0x3FD9]  }
0x89: {  	s3 =	sld [smem:$0x3FFE];
	_ =	sdelay $0x1  }
0x8a: {  	s1 =	srdreg.scid  }
0x8b: {  	s0 =	sand.u32 $0x1, s1  }
0x8c: {  	s17 =	sshll.u32 s0, $0xA;
	s2 =	sadd.s32 s3, s2  }
0x8d: {  	s2 =	sadd.s32 s2, s17  }
0x8e: {  	[smem:$0x3FC4] =	sst s2  }
0x8f: {  	_ = 	snop  }
0x90: {  	s2 =	sld [smem:$0x3FD0];
	(tm) =	ssettm $0x1  }
0x91: {  	s18 =	sld [smem:$0x3FFB];
	_ =	sdelay $0x3  }
0x92: {  	_ =	strace s18  }
0x93: {  	s3 =	sld [smem:$0x3FFC];
	_ =	sdelay $0x3  }
0x94: {  	_ =	strace s3  }
0x95: {  	s3 =	sld [smem:$0x3FFD];
	_ =	sdelay $0x3  }
0x96: {  	_ =	strace s3  }
0x97: {  	_ =	strace $0x8FFFFFFF  }
0x98: {  	s19 =	sld [smem:$0x3FDB];
	_ =	sdelay $0x1  }
0x99: {  	s4 =	simm.s32 $_scs_section_size  }
0x9a: {  	s5 =	simm.s32 $_size__tile_overlayer_lowered;
	s6 =	simm.s32 $_tile_overlayer_lowered  }
0x9b: {  	s22 =	simm.s32 $0x1BFF;
	s21 =	sshll.u32 s6, $0x1;
	s3 =	sadd.s32 s4, s19  }
0x9c: {  	s7 =	simm.s32 $0x0;
	s20 =	sshll.u32 s5, $0x1;
	s5 =	sadd.s32 s21, s3  }
0x9d: {  	[timem:s7], [sflag:s22] =	dma.local [hbm:s5], s20  }
0x9e: {  	_ =	swait.ge [sflag:s22], s20  }
0x9f: {  	s4 =	ssub.s32 $0x0, s20;
	[sflag:s22] =	ssyncset.done $0x0  }
0xa0: {  	[sflag:s22] =	ssyncadd.s32 s4;
	_ =	sdelay $0x1  }
0xa1: {  	s23 =	simm.s32 $0x1B8B  }
0xa2: {  	_ =	swait.ge [sflag:s23], $0x1  }
0xa3: {  	[sflag:s23] =	ssyncset.done $0x0  }
0xa4: {  	s25 =	simm.s32 $0x1B8E;
	s24 =	sld [smem:$0x3FFE];
	[sflag:s23] =	ssyncadd.s32 $0xFFFFFFFF  }
0xa5: {  	s26 =	simm.s32 $execute0_lowered;
	[smem:$0x3FD2] =	sst s25  }
0xa6: {  	s5 =	sshll.u32 s26, $0x1;
	_ =	strace $0x80000046;
	[dreg:$0x1] =	wrdreg $0xFFFFFFFF  }
0xa7: {  	s28 =	simm.s32 $_size_execute0_lowered;
	s3 =	sadd.s32 s3, s5;
	[dreg:$0x0] =	wrdreg $0x0  }
0xa8: {  	s5 =	sshll.u32 s28, $0x1;
	[dreg:$0x2] =	wrdreg s3  }
0xa9: {  	[dreg:$0x3] =	wrdreg s5  }
0xaa: {  	[dreg:$0x4] =	wrdreg $0xC0  }
0xab: {  	_ =	task [dreg:s7], $0x5FFFF  }
0xac: {  	[dreg:$0x1] =	wrdreg $0xFFFFFFFF  }
0xad: {  	[dreg:$0x0] =	wrdreg $0x60  }
0xae: {  	[dreg:$0x2] =	wrdreg s2  }
0xaf: {  	[dreg:$0x3] =	wrdreg s24  }
0xb0: {  	[dreg:$0x4] =	wrdreg $0x9  }
0xb1: {  	_ =	task.clear_ibuf [dreg:s7], $0x5FFFF;
	_ =	strace $0x90000046  }
0xb2: {  	s29 =	simm.s32 $0x9;
	_ =	strace $0x80000048  }
0xb3: {  	_ =	swait.ge [sflag:s29], $0x1  }
0xb4: {  	[sflag:s29] =	ssyncadd.s32 $0xFFFFFFFF  }
0xb5: {  	_ =	strace $0x90000048  }
0xb6: {  	_ =	sfence  }
0xb7: {  	s30 =	sld [smem:$0x0];
	_ =	sdelay $0x2  }
0xb8: {  	s31 =	sshll.u32 s1, $0xD;
	s1 =	sshrl.u32 s1, $0x2  }
0xb9: {  	s3 =	sand.u32 $0x4000, s31;
	s1 =	sadd.s32 s1, s30  }
0xba: {  	s0 =	sor.u32 s3, s0;
	s1 =	sshll.u32 s1, $0x11  }
0xbb: {  	s0 =	sor.u32 s1, s0  }
0xbc: {  	s0 =	sadd.s32 $0x8F2B, s0  }
0xbd: {  	[sflag:s0] =	ssyncadd.remote.s32 $0x1  }
0xbe: {  	_ =	sfence.sel $0xFFFF  }
0xbf: {  	[dreg:$0x0] =	wrdreg $0xFFFFFFFF;
	(pc) =	sbr.abs _section_cstart, $3  }
0xc0: {  	[dreg:$0x1] =	wrdreg $0xFFFFFFFF  }
0xc1: {  	_ =	task.clear_ibuf [dreg:s7], $0x2FFFF;
	_ =	strace $0x9FFFFFFF  }
0xc2: {  	(tm) =	ssettm $0x7FFFFFFF  }
0xc3: {  	_ =	shalt  }
tec
execute0_lowered:
.L_overlay_start_1:
0x0: {  	(tag) =	ssettag $0x1  }
0x1: {  	v0 =	vimm.s32 $0x183;
	vm0 =	vcmask $0x300  }
0x2: {  	vm14 =	vcmask $0x704;
	v0 =	vsel vm0, $0x0, v0  }
0x3: {  	vm15 =	vcmask $0xB08;
	v0 =	vsel vm14, $0x80, v0  }
0x4: {  	s1 =	rddreg [dreg:$0x0];
	vm4 =	vcmask $0xF0C;
	v0 =	vsel vm15, $0x100, v0  }
0x5: {  	s0 =	rddreg [dreg:$0x1];
	s2 =	simm.s32 $0x0;
	s3 =	srdreg.scid;
	vm5 =	vcmask $0x1310;
	v0 =	vsel vm4, $0x180, v0  }
0x6: {  	vm6 =	vcmask $0x1714;
	s30 =	stileid.u32;
	s11 =	simm.s32 $0x80;
	s12 =	simm.s32 $0x100;
	v0 =	vsel vm5, $0x1, v0  }
0x7: {  	vm7 =	vcmask $0x1B18;
	s13 =	simm.s32 $0x180;
	s14 =	simm.s32 $0x200;
	s15 =	simm.s32 $0x280;
	v0 =	vsel vm6, $0x81, v0  }
0x8: {  	vm8 =	vcmask $0x1F1C;
	s16 =	simm.s32 $0x300;
	s17 =	simm.s32 $0x380;
	s18 =	simm.s32 $0x1;
	v0 =	vsel vm7, $0x101, v0  }
0x9: {  	vm9 =	vcmask $0x2320;
	s19 =	simm.s32 $0x400;
	s20 =	simm.s32 $0x800;
	s21 =	simm.s32 $0x600;
	v0 =	vsel vm8, $0x181, v0  }
0xa: {  	vm10 =	vcmask $0x2724;
	s22 =	simm.s32 $0x4800;
	s23 =	simm.s32 $0x2;
	s24 =	simm.s32 $0x3;
	v0 =	vsel vm9, $0x2, v0  }
0xb: {  	vm11 =	vcmask $0x2B28;
	s25 =	simm.s32 $0x4;
	s26 =	simm.s32 $0x0;
	[smem:$0x7FF] =	sst s2;
	v0 =	vsel vm10, $0x82, v0  }
0xc: {  	vm12 =	vcmask $0x2F2C;
	s6 =	sand.u32 $0x1, s3;
	s4 =	sadd.s32 $0xA00, s0;
	s9 =	sshll.u32 s30, $0x1;
	v0 =	vsel vm11, $0x102, v0  }
0xd: {  	vm13 =	vcmask $0x3330;
	s5 =	sadd.s32 $0x3E0A00, s0;
	s3 =	simm.s32 $0x0;
	s7 =	ssub.s32 $0x2, s6;
	v0 =	vsel vm12, $0x182, v0  }
0xe: {  	_ =	strace $0x80000047;
	s6 =	sor.u32 s6, s9;
	vm14 =	vcmask $0x3734;
	s8 =	sshrl.u32 s7, $0x1;
	v0 =	vsel vm13, $0x3, v0  }
0xf: {  	s9 =	sadd.s32 $0x600, s1;
	s6 =	smul.u32 $0x32, s6;
	vm15 =	vcmask $0x3B38;
	s31 =	ssub.s32 s7, s8;
	v0 =	vsel vm14, $0x83, v0  }
0x10: {  	s7 =	sadd.s32 $0x200, s1;
	s8 =	sadd.s32 $0x400, s1;
	s10 =	smax.u32 s31, $0x1;
	v0 =	vsel vm15, $0x103, v0  }
.LBB2_1:
0x11: {  	s28 =	simm.s32 $0x0  }
.LBB2_2:
0x12: {  	s0 =	sshll.u32 s28, $0x1  }
0x13: {  	s29 =	sadd.s32 s6, s0  }
0x14: {  	s0 =	sshll.u32 s29, $0x9;
	s30 =	sshll.u32 s29, $0x7  }
0x15: {  	s0 =	sand.u32 $0x7FFFC000, s0;
	s30 =	sand.u32 $0xF00, s30  }
0x16: {  	s30 =	sor.u32 s30, s0  }
0x17: {  	s31 =	sshrl.u32 s30, $0x3  }
0x18: {  	s30 =	sadd.s32 s1, s31  }
0x19: {  	[tilespmem:s3], [sflag:$0x1] =	stream.linear.gather [hbm4b:s30+s3], $0x80, $0x38;
	[tilespmem:$0x8800] =	vst v63  }
0x1a: {  	s30 =	sadd.s32 s31, s7  }
0x1b: {  	[tilespmem:s11], [sflag:$0x1] =	stream.linear.gather [hbm4b:s30+s3], $0x80, $0x38;
	[tilespmem:$0x8800] =	vst v63  }
0x1c: {  	s30 =	sadd.s32 s31, s8  }
0x1d: {  	[tilespmem:s12], [sflag:$0x1] =	stream.linear.gather [hbm4b:s30+s3], $0x80, $0x38;
	[tilespmem:$0x8800] =	vst v63  }
0x1e: {  	s31 =	sadd.s32 s31, s9;
	s30 =	sor.u32 $0x1, s29  }
0x1f: {  	[tilespmem:s13], [sflag:$0x1] =	stream.linear.gather [hbm4b:s31+s3], $0x80, $0x38;
	[tilespmem:$0x8800] =	vst v63  }
0x20: {  	s31 =	sshll.u32 s30, $0x7  }
0x21: {  	s31 =	sand.u32 $0xF80, s31  }
0x22: {  	s0 =	sor.u32 s0, s31  }
0x23: {  	s0 =	sshrl.u32 s0, $0x3  }
0x24: {  	s31 =	sadd.s32 s1, s0  }
0x25: {  	[tilespmem:s14], [sflag:$0x1] =	stream.linear.gather [hbm4b:s31+s3], $0x80, $0x38;
	[tilespmem:$0x8800] =	vst v63  }
0x26: {  	s31 =	sadd.s32 s0, s7  }
0x27: {  	[tilespmem:s15], [sflag:$0x1] =	stream.linear.gather [hbm4b:s31+s3], $0x80, $0x38;
	[tilespmem:$0x8800] =	vst v63  }
0x28: {  	s31 =	sadd.s32 s0, s8  }
0x29: {  	[tilespmem:s16], [sflag:$0x1] =	stream.linear.gather [hbm4b:s31+s3], $0x80, $0x38;
	[tilespmem:$0x8800] =	vst v63  }
0x2a: {  	s0 =	sadd.s32 s0, s9  }
0x2b: {  	[tilespmem:s17], [sflag:$0x1] =	stream.linear.gather [hbm4b:s0+s3], $0x80, $0x38;
	[tilespmem:$0x8800] =	vst v63  }
0x2c: {  	_ =	swait.ge [sflag:s18], $0x80  }
0x2d: {  	[sflag:s18] =	ssyncset.done $0x0  }
0x2e: {  	[sflag:s18] =	ssyncadd.s32 $0xFFFFFF80  }
0x2f: {  	_ =	swait.ge [sflag:s18], $0x80  }
0x30: {  	[sflag:s18] =	ssyncset.done $0x0  }
0x31: {  	[sflag:s18] =	ssyncadd.s32 $0xFFFFFF80  }
0x32: {  	_ =	swait.ge [sflag:s18], $0x80  }
0x33: {  	v1 =	vor.u32 s3, v0;
	[sflag:s18] =	ssyncset.done $0x0  }
0x34: {  	[sflag:s18] =	ssyncadd.s32 $0xFFFFFF80  }
0x35: {  	_ =	swait.ge [sflag:s18], $0x80  }
0x36: {  	[sflag:s18] =	ssyncset.done $0x0  }
0x37: {  	[sflag:s18] =	ssyncadd.s32 $0xFFFFFF80  }
0x38: {  	v1 =	vld.idx.msk [tilespmem:v1+s2+$0x0], $0xffff;
	_ =	sdelay $0x3  }
0x39: {  	s0 =	simm.s32 $0x4  }
0x3a: {  	v2 =	vor.u32 s0, v0;
	v3 =	vshll.u32 v1, $0x2  }
0x3b: {  	v4 =	vand.u32 $0xFFFF8000, v1;
	v1 =	vshrl.u32 v1, $0xD;
	v3 =	vand.u32 $0x7FFC, v3  }
0x3c: {  	v1 =	vand.u32 $0x3, v1;
	v3 =	vor.u32 v4, v3  }
0x3d: {  	s31 =	simm.s32 $0x400;
	v1 =	vor.u32 v1, v3  }
0x3e: {  	[tilespmem:s31+$0x0] =	vst v1  }
0x3f: {  	v2 =	vld.idx.msk [tilespmem:v2+s2+$0x0], $0xffff;
	_ =	sdelay $0x3  }
0x40: {  	s0 =	simm.s32 $0x8  }
0x41: {  	v1 =	vor.u32 s0, v0;
	s0 =	simm.s32 $0xC;
	v3 =	vshll.u32 v2, $0x2  }
.LBB2_3:
0x42: {  	p0 =	sne.s32 s0, $0x7C;
	v4 =	vand.u32 $0xFFFF8000, v2;
	v3 =	vand.u32 $0x7FFC, v3;
	v2 =	vshrl.u32 v2, $0xD  }
0x43: {  	v3 =	vor.u32 v4, v3;
	v2 =	vand.u32 $0x3, v2  }
0x44: {  	s31 =	sadd.s32 $0x10, s31;
	v2 =	vor.u32 v2, v3  }
0x45: {  	[tilespmem:s31+$0x0] =	vst v2  }
0x46: {  	v2 =	vld.idx.msk [tilespmem:v1+s2+$0x0], $0xffff;
	_ =	sdelay $0x1  }
.Ltmp0:
0x47: {  	(pc) =	sbr.rel @p0 .LBB2_3-.Ltmp0, $2  }
0x48: {  	_ =	sdelay $0x2  }
0x49: {  	v1 =	vor.u32 s0, v0;
	s0 =	sadd.s32 $0x4, s0;
	v3 =	vshll.u32 v2, $0x2  }
0x4a: {  	v4 =	vand.u32 $0xFFFF8000, v2;
	v3 =	vand.u32 $0x7FFC, v3;
	v2 =	vshrl.u32 v2, $0xD  }
0x4b: {  	v3 =	vor.u32 v4, v3;
	v2 =	vand.u32 $0x3, v2  }
0x4c: {  	s0 =	sadd.s32 $0x10, s31;
	v2 =	vor.u32 v2, v3  }
0x4d: {  	[tilespmem:s0+$0x0] =	vst v2  }
0x4e: {  	v1 =	vld.idx.msk [tilespmem:v1+s2+$0x0], $0xffff;
	_ =	sdelay $0x4  }
0x4f: {  	v2 =	vshll.u32 v1, $0x2  }
0x50: {  	v3 =	vand.u32 $0xFFFF8000, v1;
	v1 =	vshrl.u32 v1, $0xD;
	v2 =	vand.u32 $0x7FFC, v2  }
0x51: {  	v1 =	vand.u32 $0x3, v1;
	v2 =	vor.u32 v3, v2  }
0x52: {  	s0 =	sadd.s32 $0x10, s0;
	v1 =	vor.u32 v1, v2  }
0x53: {  	[tilespmem:s0+$0x0] =	vst v1  }
0x54: {  	[tilespmem:s20], [sflag:$0x2] =	stream.indirect.gather [hbm4b:s4+s14], $0x20, s19, s14, $0xb8;
	[tilespmem:$0x8800] =	vst v63  }
0x55: {  	_ =	swait.ge [sflag:s18], $0x80  }
0x56: {  	[sflag:s18] =	ssyncset.done $0x0  }
0x57: {  	[sflag:s18] =	ssyncadd.s32 $0xFFFFFF80  }
0x58: {  	_ =	swait.ge [sflag:s18], $0x80  }
0x59: {  	[sflag:s18] =	ssyncset.done $0x0  }
0x5a: {  	[sflag:s18] =	ssyncadd.s32 $0xFFFFFF80  }
0x5b: {  	s0 =	simm.s32 $0x0;
	_ =	swait.ge [sflag:s18], $0x80  }
0x5c: {  	v1 =	vor.u32 s0, v0;
	[sflag:s18] =	ssyncset.done $0x0  }
0x5d: {  	[sflag:s18] =	ssyncadd.s32 $0xFFFFFF80  }
0x5e: {  	_ =	swait.ge [sflag:s18], $0x80  }
0x5f: {  	[sflag:s18] =	ssyncset.done $0x0  }
0x60: {  	[sflag:s18] =	ssyncadd.s32 $0xFFFFFF80  }
0x61: {  	v1 =	vld.idx.msk [tilespmem:v1+s14+$0x0], $0xffff;
	_ =	sdelay $0x3  }
0x62: {  	s0 =	simm.s32 $0x4  }
0x63: {  	v2 =	vor.u32 s0, v0;
	v3 =	vshll.u32 v1, $0x2  }
0x64: {  	v4 =	vand.u32 $0xFFFF8000, v1;
	v1 =	vshrl.u32 v1, $0xD;
	v3 =	vand.u32 $0x7FFC, v3  }
0x65: {  	v1 =	vand.u32 $0x3, v1;
	v3 =	vor.u32 v4, v3  }
0x66: {  	s31 =	simm.s32 $0x600;
	v1 =	vor.u32 v1, v3  }
0x67: {  	[tilespmem:s31+$0x0] =	vst v1  }
0x68: {  	v2 =	vld.idx.msk [tilespmem:v2+s14+$0x0], $0xffff;
	_ =	sdelay $0x3  }
0x69: {  	s0 =	simm.s32 $0x8  }
0x6a: {  	v1 =	vor.u32 s0, v0;
	s0 =	simm.s32 $0xC;
	v3 =	vshll.u32 v2, $0x2  }
.LBB2_5:
0x6b: {  	p0 =	sne.s32 s0, $0x7C;
	v4 =	vand.u32 $0xFFFF8000, v2;
	v3 =	vand.u32 $0x7FFC, v3;
	v2 =	vshrl.u32 v2, $0xD  }
0x6c: {  	v3 =	vor.u32 v4, v3;
	v2 =	vand.u32 $0x3, v2  }
0x6d: {  	s31 =	sadd.s32 $0x10, s31;
	v2 =	vor.u32 v2, v3  }
0x6e: {  	[tilespmem:s31+$0x0] =	vst v2  }
0x6f: {  	v2 =	vld.idx.msk [tilespmem:v1+s14+$0x0], $0xffff;
	_ =	sdelay $0x1  }
.Ltmp1:
0x70: {  	(pc) =	sbr.rel @p0 .LBB2_5-.Ltmp1, $2  }
0x71: {  	_ =	sdelay $0x2  }
0x72: {  	v1 =	vor.u32 s0, v0;
	s0 =	sadd.s32 $0x4, s0;
	v3 =	vshll.u32 v2, $0x2  }
0x73: {  	v4 =	vand.u32 $0xFFFF8000, v2;
	v3 =	vand.u32 $0x7FFC, v3;
	v2 =	vshrl.u32 v2, $0xD  }
0x74: {  	v3 =	vor.u32 v4, v3;
	v2 =	vand.u32 $0x3, v2  }
0x75: {  	s0 =	sadd.s32 $0x10, s31;
	v2 =	vor.u32 v2, v3  }
0x76: {  	[tilespmem:s0+$0x0] =	vst v2  }
0x77: {  	v1 =	vld.idx.msk [tilespmem:v1+s14+$0x0], $0xffff;
	_ =	sdelay $0x4  }
0x78: {  	v2 =	vshll.u32 v1, $0x2  }
0x79: {  	v3 =	vand.u32 $0xFFFF8000, v1;
	v1 =	vshrl.u32 v1, $0xD;
	v2 =	vand.u32 $0x7FFC, v2  }
0x7a: {  	v1 =	vand.u32 $0x3, v1;
	v2 =	vor.u32 v3, v2  }
0x7b: {  	s0 =	sadd.s32 $0x10, s0;
	v1 =	vor.u32 v1, v2  }
0x7c: {  	[tilespmem:s0+$0x0] =	vst v1  }
0x7d: {  	[tilespmem:s22], [sflag:$0x3] =	stream.indirect.gather [hbm4b:s4+s14], $0x20, s21, s14, $0xb8;
	[tilespmem:$0x8800] =	vst v63  }
0x7e: {  	_ =	swait.ge [sflag:s23], $0x4000  }
0x7f: {  	s29 =	sshll.u32 s29, $0xB;
	[sflag:s23] =	ssyncset.done $0x0  }
0x80: {  	s0 =	sadd.s32 s5, s29;
	[sflag:s23] =	ssyncadd.s32 $0xFFFFC000  }
0x81: {  	[hbm4b:s0+s2] =	stream.linear.scatter [tilespmem:s20], [sflag:$0x4], $0x4000, $0x38;
	[tilespmem:$0x8800] =	vst v63  }
0x82: {  	s31 =	sshll.u32 s30, $0xB;
	_ =	swait.ge [sflag:s24], $0x4000  }
0x83: {  	s0 =	sand.u32 $0x1FFFF800, s31;
	[sflag:s24] =	ssyncset.done $0x0  }
0x84: {  	s28 =	sadd.s32 $0x1, s28;
	s0 =	sadd.s32 s5, s0;
	[sflag:s24] =	ssyncadd.s32 $0xFFFFC000  }
0x85: {  	[hbm4b:s0+s2] =	stream.linear.scatter [tilespmem:s22], [sflag:$0x4], $0x4000, $0x38;
	[tilespmem:$0x8800] =	vst v63  }
0x86: {  	p0 =	sne.s32 s28, $0x19;
	_ =	swait.ge [sflag:s25], $0x4000  }
.Ltmp2:
0x87: {  	[sflag:s25] =	ssyncset.done $0x0;
	(pc) =	sbr.rel @p0 .LBB2_2-.Ltmp2, $4  }
0x88: {  	[sflag:s25] =	ssyncadd.s32 $0xFFFFC000  }
0x89: {  	_ =	swait.ge [sflag:s25], $0x4000  }
0x8a: {  	[sflag:s25] =	ssyncset.done $0x0  }
0x8b: {  	[sflag:s25] =	ssyncadd.s32 $0xFFFFC000  }
0x8c: {  	s26 =	sadd.s32 $0x1, s26  }
0x8d: {  	p0 =	sne.s32 s26, s10  }
.Ltmp3:
0x8e: {  	_ = 	snop;
	(pc) =	sbr.rel @p0 .LBB2_1-.Ltmp3, $1  }
0x8f: {  	_ =	sdelay $0x3  }
0x90: {  	_ =	sfence.sel $0x180000  }
0x91: {  	[bflag:$0x0] =	sbarrier.arrive $0xFFFF  }
0x92: {  	_ =	strace $0x90000047  }
0x93: {  	s0 =	stileid.u32;
	[bflag:$0x2] =	sbarrier.arrive $0xFFFF  }
0x94: {  	p0 =	sne.s32 s0, $0x0;
	s0 =	rddreg [dreg:$0x2]  }
0x95: {  	s0 =	sadd.s32 @!p0 $0x100000, s0  }
0x96: {  	[sflag:s0] =	ssyncadd.tile.s32 @!p0 $0x1;
	_ =	shalt  }
.Lfunc_end2:
_tile_overlayer_lowered:
.L_overlay_start_2:
0x97: {  	(tag) =	ssettag $0x2  }
0x98: {  	s0 =	rddreg [dreg:$0x0];
	s2 =	stileid.u32  }
0x99: {  	s1 =	rddreg [dreg:$0x1];
	p0 =	sne.s32 s2, $0x0  }
0x9a: {  	s3 =	rddreg [dreg:$0x2];
	[bflag:$0x3] =	sbarrier.arrive $0xFFFF;
	s2 =	simm.s32 @!p0 $0x1C05  }
0x9b: {  	[timem:s3], [sflag:s2] =	dma.local @!p0 [hbm:s0], s1  }
0x9c: {  	s0 =	simm.s32 @!p0 $0x5  }
0x9d: {  	_ =	swait.ge @!p0 [sflag:s0], s1  }
0x9e: {  	s1 =	ssub.s32 @!p0 $0x0, s1;
	[sflag:s0] =	ssyncset.done @!p0 $0x0  }
0x9f: {  	[sflag:s0] =	ssyncadd.s32 @!p0 s1  }
0xa0: {  	[bflag:$0x3] =	sbarrier.arrive $0xFFFF  }
0xa1: {  	_ =	shalt  }

</sc_bundles>
